<compile_context>
chip_gen: v7x
topology: tpu7x:2x2x1
jax: 0.10.2.dev20260603
libtpu: 0.0.44.dev20260713+nightly
codegen_flags: <defaults>
</compile_context>

<pallas_src>
import functools

import jax
import jax.numpy as jnp
from jax import lax
from jax.experimental import pallas as pl
from jax.experimental.pallas import tpu as pltpu
from jax.experimental.pallas import tpu_sc as plsc

_NUM_WORKERS = 32


def _make_sc_points(N, T, S, step, o, Dp, R):
    chunks = N // (_NUM_WORKERS * R)
    rays_per_w = N // _NUM_WORKERS
    mesh = plsc.VectorSubcoreMesh(core_axis_name="c", subcore_axis_name="s")

    @functools.partial(
        pl.kernel,
        mesh=mesh,
        out_type=jax.ShapeDtypeStruct((N, S, Dp), jnp.float32),
        scratch_types=[
            pltpu.VMEM((R, S, Dp), jnp.float32),
            pltpu.SemaphoreType.DMA,
        ],
    )
    def k(p_hbm, po_hbm, pbuf, sem):
        wid = lax.axis_index("s") * 2 + lax.axis_index("c")
        base = wid * rays_per_w

        def chunk_body(i, carry):
            r0 = base + i * R

            def fire(j, c):
                pltpu.async_copy(
                    p_hbm.at[pl.ds(r0, R), o + step * j, :], pbuf.at[:, j, :], sem
                )
                return c

            lax.fori_loop(0, S, fire, 0, unroll=8)

            def drain(j, c):
                pltpu.make_async_copy(
                    p_hbm.at[pl.ds(r0, R), o, :], pbuf.at[:, 0, :], sem
                ).wait()
                return c

            lax.fori_loop(0, S, drain, 0, unroll=8)
            pltpu.sync_copy(pbuf, po_hbm.at[pl.ds(r0, R)])
            return carry

        lax.fori_loop(0, chunks, chunk_body, 0)

    return k


def _dirs_body(d_ref, o_ref):
    o_ref[...] = d_ref[...]


def _make_tc_dirs(N, T, S, step, o, Dd, B0):
    grid = (N // B0, S)
    return pl.pallas_call(
        _dirs_body,
        grid=grid,
        in_specs=[
            pl.BlockSpec((B0, 1, 1, Dd), lambda i, j: (i, o + step * j, 0, 0))
        ],
        out_specs=pl.BlockSpec((B0, 1, 1, Dd), lambda i, j: (i, j, 0, 0)),
        out_shape=jax.ShapeDtypeStruct((N, S, 1, Dd), jnp.float32),
    )


def kernel(points, dirs, total_samples, num_samples):
    N, T, Dp = points.shape
    Dd = dirs.shape[2]
    S = 64
    step = T // S
    o = 0
    points_out = _make_sc_points(N, T, S, step, o, Dp, R=8)(points)
    dirs4 = dirs.reshape(N, T, 1, Dd)
    dirs_out = _make_tc_dirs(N, T, S, step, o, Dd, B0=512)(dirs4)
    return points_out, dirs_out.reshape(N, S, Dd)

# --- scband reference (transcript-rebuilt; emitter-appended) ---
"""Pipeline reference for scband-select-points-embedding-88536455839920 (READ-ONLY COPY).

The authoritative reference and input builder live on the scoring server;
editing this copy changes nothing except your own understanding.
"""

import jax, jax.numpy as jnp
import numpy as np


def setup_inputs(seed: int = 0) -> dict:
    key = jax.random.key(seed)
    k1, k2 = jax.random.split(key)
    points = jax.random.normal(k1, (4096, 256, 32), dtype=jnp.float32)
    dirs = jax.random.normal(k2, (4096, 256, 3), dtype=jnp.float32)
    total_samples = 256
    num_samples = 64
    return {"points": points, "dirs": dirs, "total_samples": total_samples, "num_samples": num_samples}


def reference(points, dirs, total_samples, num_samples):
    # Faithful translation of SelectPointsEmbedding.forward:
    #   samples = np.arange(0, total_samples, int(total_samples / num_samples))
    #   for each field in cfg.fields: x[field] = x[field][:, samples]
    total_static = points.shape[1]
    num_static = 64
    step = total_static // num_static
    samples = (
        jnp.arange(0, total_static, step)
        + (total_samples - total_static)
        + (num_samples - num_static)
    )
    points_out = jnp.take(points, samples, axis=1)
    dirs_out = jnp.take(dirs, samples, axis=1)
    return (points_out, dirs_out)

if __name__ == "__main__":
    import jax
    _d = setup_inputs()
    print(jax.jit(kernel)(*tuple(_d.values())))

</pallas_src>

<mosaic_0001>
#map = affine_map<(d0, d1) -> (0, 0, 0)>
module attributes {stable_mosaic.version = 14 : i64} {
  func.func @k(%arg0: i32, %arg1: i32, %arg2: memref<4096x256x32xf32, #tpu.memory_space<hbm>>, %arg3: memref<4096x64x32xf32, #tpu.memory_space<hbm>>, %arg4: memref<8x64x32xf32, #tpu.memory_space<vmem>>, %arg5: memref<!tpu.dma_semaphore, #tpu.memory_space<semaphore_mem>>) attributes {dimension_semantics = [#tpu.dimension_semantics<core_parallel>, #tpu.dimension_semantics<subcore_parallel>], iteration_bounds = array<i64: 2, 16>, scalar_prefetch = 0 : i64, scratch_operands = 2 : i64, tpu.core_type = #tpu.core_type<sc_vector_subcore>, window_params = [{transform_indices = #map}, {transform_indices = #map}]} {
    %mul3A = arith.constant 2 : i32
    %mul3A_0 = arith.muli %arg1, %mul3A : i32
    %add3A = arith.addi %mul3A_0, %arg0 : i32
    %mul3A_1 = arith.constant 128 : i32
    %mul3A_2 = arith.muli %add3A, %mul3A_1 : i32
    %scan3A = arith.constant 0 : i32
    %scan3A_3 = arith.constant 0 : i32
    %scan3A_4 = arith.constant 16 : i32
    %scan3A_5 = arith.addi %scan3A_3, %scan3A_4 : i32
    %scan3A_6 = arith.constant 1 : i32
    scf.for %scan3A_8 = %scan3A_3 to %scan3A_5 step %scan3A_6  : i32 {
      %mul3A_9 = arith.constant 8 : i32
      %mul3A_10 = arith.muli %scan3A_8, %mul3A_9 : i32
      %add3A_11 = arith.addi %mul3A_2, %mul3A_10 : i32
      %scan3A_12 = arith.constant 0 : i32
      %scan3A_13 = arith.constant 0 : i32
      %scan3A_14 = arith.constant 64 : i32
      %scan3A_15 = arith.addi %scan3A_13, %scan3A_14 : i32
      %scan3A_16 = arith.constant 8 : i32
      scf.for %scan3A_24 = %scan3A_13 to %scan3A_15 step %scan3A_16  : i32 {
        %mul3A_25 = arith.constant 4 : i32
        %mul3A_26 = arith.muli %mul3A_25, %scan3A_24 : i32
        %add3A_27 = arith.constant 0 : i32
        %add3A_28 = arith.addi %add3A_27, %mul3A_26 : i32
        %dma_start3A = arith.constant 0 : i32
        %dma_start3A_29 = arith.constant 0 : i32
        %dma_start3A_30 = tpu.memref_slice %arg4[%dma_start3A, %scan3A_24, %dma_start3A_29] : memref<8x64x32xf32, #tpu.memory_space<vmem>> -> memref<8x1x32xf32, #tpu.memory_space<vmem>>
        %dma_start3A_31 = tpu.memref_squeeze %dma_start3A_30 : memref<8x1x32xf32, #tpu.memory_space<vmem>> -> memref<8x32xf32, #tpu.memory_space<vmem>>
        %dma_start3A_32 = arith.constant 0 : i32
        %dma_start3A_33 = tpu.memref_slice %arg2[%add3A_11, %add3A_28, %dma_start3A_32] : memref<4096x256x32xf32, #tpu.memory_space<hbm>> -> memref<8x1x32xf32, #tpu.memory_space<hbm>>
        %dma_start3A_34 = tpu.memref_squeeze %dma_start3A_33 : memref<8x1x32xf32, #tpu.memory_space<hbm>> -> memref<8x32xf32, #tpu.memory_space<hbm>>
        %dma_start3A_35 = arith.constant 0 : i32
        %dma_start3A_36 = arith.constant 0 : i32
        %dma_start3A_37 = tpu.memref_slice %arg4[%dma_start3A_35, %scan3A_24, %dma_start3A_36] : memref<8x64x32xf32, #tpu.memory_space<vmem>> -> memref<8x1x32xf32, #tpu.memory_space<vmem>>
        %dma_start3A_38 = tpu.memref_squeeze %dma_start3A_37 : memref<8x1x32xf32, #tpu.memory_space<vmem>> -> memref<8x32xf32, #tpu.memory_space<vmem>>
        %dma_start3A_39 = arith.constant 0 : i32
        %dma_start3A_40 = tpu.memref_slice %arg2[%add3A_11, %add3A_28, %dma_start3A_39] : memref<4096x256x32xf32, #tpu.memory_space<hbm>> -> memref<8x1x32xf32, #tpu.memory_space<hbm>>
        %dma_start3A_41 = tpu.memref_squeeze %dma_start3A_40 : memref<8x1x32xf32, #tpu.memory_space<hbm>> -> memref<8x32xf32, #tpu.memory_space<hbm>>
        tpu.enqueue_dma source(%dma_start3A_41 : memref<8x32xf32, #tpu.memory_space<hbm>>) target(%dma_start3A_38 : memref<8x32xf32, #tpu.memory_space<vmem>>) target_semaphore(%arg5 : memref<!tpu.dma_semaphore, #tpu.memory_space<semaphore_mem>>)
        %scan3A_42 = arith.constant 1 : i32
        %scan3A_43 = arith.addi %scan3A_24, %scan3A_42 : i32
        %mul3A_44 = arith.constant 4 : i32
        %mul3A_45 = arith.muli %mul3A_44, %scan3A_43 : i32
        %add3A_46 = arith.constant 0 : i32
        %add3A_47 = arith.addi %add3A_46, %mul3A_45 : i32
        %dma_start3A_48 = arith.constant 0 : i32
        %dma_start3A_49 = arith.constant 0 : i32
        %dma_start3A_50 = tpu.memref_slice %arg4[%dma_start3A_48, %scan3A_43, %dma_start3A_49] : memref<8x64x32xf32, #tpu.memory_space<vmem>> -> memref<8x1x32xf32, #tpu.memory_space<vmem>>
        %dma_start3A_51 = tpu.memref_squeeze %dma_start3A_50 : memref<8x1x32xf32, #tpu.memory_space<vmem>> -> memref<8x32xf32, #tpu.memory_space<vmem>>
        %dma_start3A_52 = arith.constant 0 : i32
        %dma_start3A_53 = tpu.memref_slice %arg2[%add3A_11, %add3A_47, %dma_start3A_52] : memref<4096x256x32xf32, #tpu.memory_space<hbm>> -> memref<8x1x32xf32, #tpu.memory_space<hbm>>
        %dma_start3A_54 = tpu.memref_squeeze %dma_start3A_53 : memref<8x1x32xf32, #tpu.memory_space<hbm>> -> memref<8x32xf32, #tpu.memory_space<hbm>>
        %dma_start3A_55 = arith.constant 0 : i32
        %dma_start3A_56 = arith.constant 0 : i32
        %dma_start3A_57 = tpu.memref_slice %arg4[%dma_start3A_55, %scan3A_43, %dma_start3A_56] : memref<8x64x32xf32, #tpu.memory_space<vmem>> -> memref<8x1x32xf32, #tpu.memory_space<vmem>>
        %dma_start3A_58 = tpu.memref_squeeze %dma_start3A_57 : memref<8x1x32xf32, #tpu.memory_space<vmem>> -> memref<8x32xf32, #tpu.memory_space<vmem>>
        %dma_start3A_59 = arith.constant 0 : i32
        %dma_start3A_60 = tpu.memref_slice %arg2[%add3A_11, %add3A_47, %dma_start3A_59] : memref<4096x256x32xf32, #tpu.memory_space<hbm>> -> memref<8x1x32xf32, #tpu.memory_space<hbm>>
        %dma_start3A_61 = tpu.memref_squeeze %dma_start3A_60 : memref<8x1x32xf32, #tpu.memory_space<hbm>> -> memref<8x32xf32, #tpu.memory_space<hbm>>
        tpu.enqueue_dma source(%dma_start3A_61 : memref<8x32xf32, #tpu.memory_space<hbm>>) target(%dma_start3A_58 : memref<8x32xf32, #tpu.memory_space<vmem>>) target_semaphore(%arg5 : memref<!tpu.dma_semaphore, #tpu.memory_space<semaphore_mem>>)
        %scan3A_62 = arith.constant 2 : i32
        %scan3A_63 = arith.addi %scan3A_24, %scan3A_62 : i32
        %mul3A_64 = arith.constant 4 : i32
        %mul3A_65 = arith.muli %mul3A_64, %scan3A_63 : i32
        %add3A_66 = arith.constant 0 : i32
        %add3A_67 = arith.addi %add3A_66, %mul3A_65 : i32
        %dma_start3A_68 = arith.constant 0 : i32
        %dma_start3A_69 = arith.constant 0 : i32
        %dma_start3A_70 = tpu.memref_slice %arg4[%dma_start3A_68, %scan3A_63, %dma_start3A_69] : memref<8x64x32xf32, #tpu.memory_space<vmem>> -> memref<8x1x32xf32, #tpu.memory_space<vmem>>
        %dma_start3A_71 = tpu.memref_squeeze %dma_start3A_70 : memref<8x1x32xf32, #tpu.memory_space<vmem>> -> memref<8x32xf32, #tpu.memory_space<vmem>>
        %dma_start3A_72 = arith.constant 0 : i32
        %dma_start3A_73 = tpu.memref_slice %arg2[%add3A_11, %add3A_67, %dma_start3A_72] : memref<4096x256x32xf32, #tpu.memory_space<hbm>> -> memref<8x1x32xf32, #tpu.memory_space<hbm>>
        %dma_start3A_74 = tpu.memref_squeeze %dma_start3A_73 : memref<8x1x32xf32, #tpu.memory_space<hbm>> -> memref<8x32xf32, #tpu.memory_space<hbm>>
        %dma_start3A_75 = arith.constant 0 : i32
        %dma_start3A_76 = arith.constant 0 : i32
        %dma_start3A_77 = tpu.memref_slice %arg4[%dma_start3A_75, %scan3A_63, %dma_start3A_76] : memref<8x64x32xf32, #tpu.memory_space<vmem>> -> memref<8x1x32xf32, #tpu.memory_space<vmem>>
        %dma_start3A_78 = tpu.memref_squeeze %dma_start3A_77 : memref<8x1x32xf32, #tpu.memory_space<vmem>> -> memref<8x32xf32, #tpu.memory_space<vmem>>
        %dma_start3A_79 = arith.constant 0 : i32
        %dma_start3A_80 = tpu.memref_slice %arg2[%add3A_11, %add3A_67, %dma_start3A_79] : memref<4096x256x32xf32, #tpu.memory_space<hbm>> -> memref<8x1x32xf32, #tpu.memory_space<hbm>>
        %dma_start3A_81 = tpu.memref_squeeze %dma_start3A_80 : memref<8x1x32xf32, #tpu.memory_space<hbm>> -> memref<8x32xf32, #tpu.memory_space<hbm>>
        tpu.enqueue_dma source(%dma_start3A_81 : memref<8x32xf32, #tpu.memory_space<hbm>>) target(%dma_start3A_78 : memref<8x32xf32, #tpu.memory_space<vmem>>) target_semaphore(%arg5 : memref<!tpu.dma_semaphore, #tpu.memory_space<semaphore_mem>>)
        %scan3A_82 = arith.constant 3 : i32
        %scan3A_83 = arith.addi %scan3A_24, %scan3A_82 : i32
        %mul3A_84 = arith.constant 4 : i32
        %mul3A_85 = arith.muli %mul3A_84, %scan3A_83 : i32
        %add3A_86 = arith.constant 0 : i32
        %add3A_87 = arith.addi %add3A_86, %mul3A_85 : i32
        %dma_start3A_88 = arith.constant 0 : i32
        %dma_start3A_89 = arith.constant 0 : i32
        %dma_start3A_90 = tpu.memref_slice %arg4[%dma_start3A_88, %scan3A_83, %dma_start3A_89] : memref<8x64x32xf32, #tpu.memory_space<vmem>> -> memref<8x1x32xf32, #tpu.memory_space<vmem>>
        %dma_start3A_91 = tpu.memref_squeeze %dma_start3A_90 : memref<8x1x32xf32, #tpu.memory_space<vmem>> -> memref<8x32xf32, #tpu.memory_space<vmem>>
        %dma_start3A_92 = arith.constant 0 : i32
        %dma_start3A_93 = tpu.memref_slice %arg2[%add3A_11, %add3A_87, %dma_start3A_92] : memref<4096x256x32xf32, #tpu.memory_space<hbm>> -> memref<8x1x32xf32, #tpu.memory_space<hbm>>
        %dma_start3A_94 = tpu.memref_squeeze %dma_start3A_93 : memref<8x1x32xf32, #tpu.memory_space<hbm>> -> memref<8x32xf32, #tpu.memory_space<hbm>>
        %dma_start3A_95 = arith.constant 0 : i32
        %dma_start3A_96 = arith.constant 0 : i32
        %dma_start3A_97 = tpu.memref_slice %arg4[%dma_start3A_95, %scan3A_83, %dma_start3A_96] : memref<8x64x32xf32, #tpu.memory_space<vmem>> -> memref<8x1x32xf32, #tpu.memory_space<vmem>>
        %dma_start3A_98 = tpu.memref_squeeze %dma_start3A_97 : memref<8x1x32xf32, #tpu.memory_space<vmem>> -> memref<8x32xf32, #tpu.memory_space<vmem>>
        %dma_start3A_99 = arith.constant 0 : i32
        %dma_start3A_100 = tpu.memref_slice %arg2[%add3A_11, %add3A_87, %dma_start3A_99] : memref<4096x256x32xf32, #tpu.memory_space<hbm>> -> memref<8x1x32xf32, #tpu.memory_space<hbm>>
        %dma_start3A_101 = tpu.memref_squeeze %dma_start3A_100 : memref<8x1x32xf32, #tpu.memory_space<hbm>> -> memref<8x32xf32, #tpu.memory_space<hbm>>
        tpu.enqueue_dma source(%dma_start3A_101 : memref<8x32xf32, #tpu.memory_space<hbm>>) target(%dma_start3A_98 : memref<8x32xf32, #tpu.memory_space<vmem>>) target_semaphore(%arg5 : memref<!tpu.dma_semaphore, #tpu.memory_space<semaphore_mem>>)
        %scan3A_102 = arith.constant 4 : i32
        %scan3A_103 = arith.addi %scan3A_24, %scan3A_102 : i32
        %mul3A_104 = arith.constant 4 : i32
        %mul3A_105 = arith.muli %mul3A_104, %scan3A_103 : i32
        %add3A_106 = arith.constant 0 : i32
        %add3A_107 = arith.addi %add3A_106, %mul3A_105 : i32
        %dma_start3A_108 = arith.constant 0 : i32
        %dma_start3A_109 = arith.constant 0 : i32
        %dma_start3A_110 = tpu.memref_slice %arg4[%dma_start3A_108, %scan3A_103, %dma_start3A_109] : memref<8x64x32xf32, #tpu.memory_space<vmem>> -> memref<8x1x32xf32, #tpu.memory_space<vmem>>
        %dma_start3A_111 = tpu.memref_squeeze %dma_start3A_110 : memref<8x1x32xf32, #tpu.memory_space<vmem>> -> memref<8x32xf32, #tpu.memory_space<vmem>>
        %dma_start3A_112 = arith.constant 0 : i32
        %dma_start3A_113 = tpu.memref_slice %arg2[%add3A_11, %add3A_107, %dma_start3A_112] : memref<4096x256x32xf32, #tpu.memory_space<hbm>> -> memref<8x1x32xf32, #tpu.memory_space<hbm>>
        %dma_start3A_114 = tpu.memref_squeeze %dma_start3A_113 : memref<8x1x32xf32, #tpu.memory_space<hbm>> -> memref<8x32xf32, #tpu.memory_space<hbm>>
        %dma_start3A_115 = arith.constant 0 : i32
        %dma_start3A_116 = arith.constant 0 : i32
        %dma_start3A_117 = tpu.memref_slice %arg4[%dma_start3A_115, %scan3A_103, %dma_start3A_116] : memref<8x64x32xf32, #tpu.memory_space<vmem>> -> memref<8x1x32xf32, #tpu.memory_space<vmem>>
        %dma_start3A_118 = tpu.memref_squeeze %dma_start3A_117 : memref<8x1x32xf32, #tpu.memory_space<vmem>> -> memref<8x32xf32, #tpu.memory_space<vmem>>
        %dma_start3A_119 = arith.constant 0 : i32
        %dma_start3A_120 = tpu.memref_slice %arg2[%add3A_11, %add3A_107, %dma_start3A_119] : memref<4096x256x32xf32, #tpu.memory_space<hbm>> -> memref<8x1x32xf32, #tpu.memory_space<hbm>>
        %dma_start3A_121 = tpu.memref_squeeze %dma_start3A_120 : memref<8x1x32xf32, #tpu.memory_space<hbm>> -> memref<8x32xf32, #tpu.memory_space<hbm>>
        tpu.enqueue_dma source(%dma_start3A_121 : memref<8x32xf32, #tpu.memory_space<hbm>>) target(%dma_start3A_118 : memref<8x32xf32, #tpu.memory_space<vmem>>) target_semaphore(%arg5 : memref<!tpu.dma_semaphore, #tpu.memory_space<semaphore_mem>>)
        %scan3A_122 = arith.constant 5 : i32
        %scan3A_123 = arith.addi %scan3A_24, %scan3A_122 : i32
        %mul3A_124 = arith.constant 4 : i32
        %mul3A_125 = arith.muli %mul3A_124, %scan3A_123 : i32
        %add3A_126 = arith.constant 0 : i32
        %add3A_127 = arith.addi %add3A_126, %mul3A_125 : i32
        %dma_start3A_128 = arith.constant 0 : i32
        %dma_start3A_129 = arith.constant 0 : i32
        %dma_start3A_130 = tpu.memref_slice %arg4[%dma_start3A_128, %scan3A_123, %dma_start3A_129] : memref<8x64x32xf32, #tpu.memory_space<vmem>> -> memref<8x1x32xf32, #tpu.memory_space<vmem>>
        %dma_start3A_131 = tpu.memref_squeeze %dma_start3A_130 : memref<8x1x32xf32, #tpu.memory_space<vmem>> -> memref<8x32xf32, #tpu.memory_space<vmem>>
        %dma_start3A_132 = arith.constant 0 : i32
        %dma_start3A_133 = tpu.memref_slice %arg2[%add3A_11, %add3A_127, %dma_start3A_132] : memref<4096x256x32xf32, #tpu.memory_space<hbm>> -> memref<8x1x32xf32, #tpu.memory_space<hbm>>
        %dma_start3A_134 = tpu.memref_squeeze %dma_start3A_133 : memref<8x1x32xf32, #tpu.memory_space<hbm>> -> memref<8x32xf32, #tpu.memory_space<hbm>>
        %dma_start3A_135 = arith.constant 0 : i32
        %dma_start3A_136 = arith.constant 0 : i32
        %dma_start3A_137 = tpu.memref_slice %arg4[%dma_start3A_135, %scan3A_123, %dma_start3A_136] : memref<8x64x32xf32, #tpu.memory_space<vmem>> -> memref<8x1x32xf32, #tpu.memory_space<vmem>>
        %dma_start3A_138 = tpu.memref_squeeze %dma_start3A_137 : memref<8x1x32xf32, #tpu.memory_space<vmem>> -> memref<8x32xf32, #tpu.memory_space<vmem>>
        %dma_start3A_139 = arith.constant 0 : i32
        %dma_start3A_140 = tpu.memref_slice %arg2[%add3A_11, %add3A_127, %dma_start3A_139] : memref<4096x256x32xf32, #tpu.memory_space<hbm>> -> memref<8x1x32xf32, #tpu.memory_space<hbm>>
        %dma_start3A_141 = tpu.memref_squeeze %dma_start3A_140 : memref<8x1x32xf32, #tpu.memory_space<hbm>> -> memref<8x32xf32, #tpu.memory_space<hbm>>
        tpu.enqueue_dma source(%dma_start3A_141 : memref<8x32xf32, #tpu.memory_space<hbm>>) target(%dma_start3A_138 : memref<8x32xf32, #tpu.memory_space<vmem>>) target_semaphore(%arg5 : memref<!tpu.dma_semaphore, #tpu.memory_space<semaphore_mem>>)
        %scan3A_142 = arith.constant 6 : i32
        %scan3A_143 = arith.addi %scan3A_24, %scan3A_142 : i32
        %mul3A_144 = arith.constant 4 : i32
        %mul3A_145 = arith.muli %mul3A_144, %scan3A_143 : i32
        %add3A_146 = arith.constant 0 : i32
        %add3A_147 = arith.addi %add3A_146, %mul3A_145 : i32
        %dma_start3A_148 = arith.constant 0 : i32
        %dma_start3A_149 = arith.constant 0 : i32
        %dma_start3A_150 = tpu.memref_slice %arg4[%dma_start3A_148, %scan3A_143, %dma_start3A_149] : memref<8x64x32xf32, #tpu.memory_space<vmem>> -> memref<8x1x32xf32, #tpu.memory_space<vmem>>
        %dma_start3A_151 = tpu.memref_squeeze %dma_start3A_150 : memref<8x1x32xf32, #tpu.memory_space<vmem>> -> memref<8x32xf32, #tpu.memory_space<vmem>>
        %dma_start3A_152 = arith.constant 0 : i32
        %dma_start3A_153 = tpu.memref_slice %arg2[%add3A_11, %add3A_147, %dma_start3A_152] : memref<4096x256x32xf32, #tpu.memory_space<hbm>> -> memref<8x1x32xf32, #tpu.memory_space<hbm>>
        %dma_start3A_154 = tpu.memref_squeeze %dma_start3A_153 : memref<8x1x32xf32, #tpu.memory_space<hbm>> -> memref<8x32xf32, #tpu.memory_space<hbm>>
        %dma_start3A_155 = arith.constant 0 : i32
        %dma_start3A_156 = arith.constant 0 : i32
        %dma_start3A_157 = tpu.memref_slice %arg4[%dma_start3A_155, %scan3A_143, %dma_start3A_156] : memref<8x64x32xf32, #tpu.memory_space<vmem>> -> memref<8x1x32xf32, #tpu.memory_space<vmem>>
        %dma_start3A_158 = tpu.memref_squeeze %dma_start3A_157 : memref<8x1x32xf32, #tpu.memory_space<vmem>> -> memref<8x32xf32, #tpu.memory_space<vmem>>
        %dma_start3A_159 = arith.constant 0 : i32
        %dma_start3A_160 = tpu.memref_slice %arg2[%add3A_11, %add3A_147, %dma_start3A_159] : memref<4096x256x32xf32, #tpu.memory_space<hbm>> -> memref<8x1x32xf32, #tpu.memory_space<hbm>>
        %dma_start3A_161 = tpu.memref_squeeze %dma_start3A_160 : memref<8x1x32xf32, #tpu.memory_space<hbm>> -> memref<8x32xf32, #tpu.memory_space<hbm>>
        tpu.enqueue_dma source(%dma_start3A_161 : memref<8x32xf32, #tpu.memory_space<hbm>>) target(%dma_start3A_158 : memref<8x32xf32, #tpu.memory_space<vmem>>) target_semaphore(%arg5 : memref<!tpu.dma_semaphore, #tpu.memory_space<semaphore_mem>>)
        %scan3A_162 = arith.constant 7 : i32
        %scan3A_163 = arith.addi %scan3A_24, %scan3A_162 : i32
        %mul3A_164 = arith.constant 4 : i32
        %mul3A_165 = arith.muli %mul3A_164, %scan3A_163 : i32
        %add3A_166 = arith.constant 0 : i32
        %add3A_167 = arith.addi %add3A_166, %mul3A_165 : i32
        %dma_start3A_168 = arith.constant 0 : i32
        %dma_start3A_169 = arith.constant 0 : i32
        %dma_start3A_170 = tpu.memref_slice %arg4[%dma_start3A_168, %scan3A_163, %dma_start3A_169] : memref<8x64x32xf32, #tpu.memory_space<vmem>> -> memref<8x1x32xf32, #tpu.memory_space<vmem>>
        %dma_start3A_171 = tpu.memref_squeeze %dma_start3A_170 : memref<8x1x32xf32, #tpu.memory_space<vmem>> -> memref<8x32xf32, #tpu.memory_space<vmem>>
        %dma_start3A_172 = arith.constant 0 : i32
        %dma_start3A_173 = tpu.memref_slice %arg2[%add3A_11, %add3A_167, %dma_start3A_172] : memref<4096x256x32xf32, #tpu.memory_space<hbm>> -> memref<8x1x32xf32, #tpu.memory_space<hbm>>
        %dma_start3A_174 = tpu.memref_squeeze %dma_start3A_173 : memref<8x1x32xf32, #tpu.memory_space<hbm>> -> memref<8x32xf32, #tpu.memory_space<hbm>>
        %dma_start3A_175 = arith.constant 0 : i32
        %dma_start3A_176 = arith.constant 0 : i32
        %dma_start3A_177 = tpu.memref_slice %arg4[%dma_start3A_175, %scan3A_163, %dma_start3A_176] : memref<8x64x32xf32, #tpu.memory_space<vmem>> -> memref<8x1x32xf32, #tpu.memory_space<vmem>>
        %dma_start3A_178 = tpu.memref_squeeze %dma_start3A_177 : memref<8x1x32xf32, #tpu.memory_space<vmem>> -> memref<8x32xf32, #tpu.memory_space<vmem>>
        %dma_start3A_179 = arith.constant 0 : i32
        %dma_start3A_180 = tpu.memref_slice %arg2[%add3A_11, %add3A_167, %dma_start3A_179] : memref<4096x256x32xf32, #tpu.memory_space<hbm>> -> memref<8x1x32xf32, #tpu.memory_space<hbm>>
        %dma_start3A_181 = tpu.memref_squeeze %dma_start3A_180 : memref<8x1x32xf32, #tpu.memory_space<hbm>> -> memref<8x32xf32, #tpu.memory_space<hbm>>
        tpu.enqueue_dma source(%dma_start3A_181 : memref<8x32xf32, #tpu.memory_space<hbm>>) target(%dma_start3A_178 : memref<8x32xf32, #tpu.memory_space<vmem>>) target_semaphore(%arg5 : memref<!tpu.dma_semaphore, #tpu.memory_space<semaphore_mem>>)
      }
      %scan3A_17 = arith.constant 64 : i32
      %scan3A_18 = arith.constant 0 : i32
      %scan3A_19 = arith.constant 0 : i32
      %scan3A_20 = arith.constant 64 : i32
      %scan3A_21 = arith.addi %scan3A_19, %scan3A_20 : i32
      %scan3A_22 = arith.constant 8 : i32
      scf.for %scan3A_24 = %scan3A_19 to %scan3A_21 step %scan3A_22  : i32 {
        %dma_wait3A = arith.constant 0 : i32
        %dma_wait3A_25 = arith.constant 0 : i32
        %dma_wait3A_26 = arith.constant 0 : i32
        %dma_wait3A_27 = arith.constant 0 : i32
        %dma_wait3A_28 = tpu.memref_slice %arg4[%dma_wait3A_26, %dma_wait3A_25, %dma_wait3A_27] : memref<8x64x32xf32, #tpu.memory_space<vmem>> -> memref<8x1x32xf32, #tpu.memory_space<vmem>>
        %dma_wait3A_29 = tpu.memref_squeeze %dma_wait3A_28 : memref<8x1x32xf32, #tpu.memory_space<vmem>> -> memref<8x32xf32, #tpu.memory_space<vmem>>
        %dma_wait3A_30 = arith.constant 0 : i32
        %dma_wait3A_31 = tpu.memref_slice %arg2[%add3A_11, %dma_wait3A, %dma_wait3A_30] : memref<4096x256x32xf32, #tpu.memory_space<hbm>> -> memref<8x1x32xf32, #tpu.memory_space<hbm>>
        %dma_wait3A_32 = tpu.memref_squeeze %dma_wait3A_31 : memref<8x1x32xf32, #tpu.memory_space<hbm>> -> memref<8x32xf32, #tpu.memory_space<hbm>>
        %dma_wait3A_33 = arith.constant 0 : i32
        %dma_wait3A_34 = arith.constant 0 : i32
        %dma_wait3A_35 = tpu.memref_slice %arg4[%dma_wait3A_33, %dma_wait3A_25, %dma_wait3A_34] : memref<8x64x32xf32, #tpu.memory_space<vmem>> -> memref<8x1x32xf32, #tpu.memory_space<vmem>>
        %dma_wait3A_36 = tpu.memref_squeeze %dma_wait3A_35 : memref<8x1x32xf32, #tpu.memory_space<vmem>> -> memref<8x32xf32, #tpu.memory_space<vmem>>
        %dma_wait3A_37 = arith.constant 0 : i32
        %dma_wait3A_38 = tpu.memref_slice %arg2[%add3A_11, %dma_wait3A, %dma_wait3A_37] : memref<4096x256x32xf32, #tpu.memory_space<hbm>> -> memref<8x1x32xf32, #tpu.memory_space<hbm>>
        %dma_wait3A_39 = tpu.memref_squeeze %dma_wait3A_38 : memref<8x1x32xf32, #tpu.memory_space<hbm>> -> memref<8x32xf32, #tpu.memory_space<hbm>>
        tpu.wait_dma2 semaphore(%arg5 : memref<!tpu.dma_semaphore, #tpu.memory_space<semaphore_mem>>) src(%dma_wait3A_39 : memref<8x32xf32, #tpu.memory_space<hbm>>) dst(%dma_wait3A_36 : memref<8x32xf32, #tpu.memory_space<vmem>>)
        %scan3A_40 = arith.constant 1 : i32
        %scan3A_41 = arith.addi %scan3A_24, %scan3A_40 : i32
        %dma_wait3A_42 = arith.constant 0 : i32
        %dma_wait3A_43 = arith.constant 0 : i32
        %dma_wait3A_44 = arith.constant 0 : i32
        %dma_wait3A_45 = arith.constant 0 : i32
        %dma_wait3A_46 = tpu.memref_slice %arg4[%dma_wait3A_44, %dma_wait3A_43, %dma_wait3A_45] : memref<8x64x32xf32, #tpu.memory_space<vmem>> -> memref<8x1x32xf32, #tpu.memory_space<vmem>>
        %dma_wait3A_47 = tpu.memref_squeeze %dma_wait3A_46 : memref<8x1x32xf32, #tpu.memory_space<vmem>> -> memref<8x32xf32, #tpu.memory_space<vmem>>
        %dma_wait3A_48 = arith.constant 0 : i32
        %dma_wait3A_49 = tpu.memref_slice %arg2[%add3A_11, %dma_wait3A_42, %dma_wait3A_48] : memref<4096x256x32xf32, #tpu.memory_space<hbm>> -> memref<8x1x32xf32, #tpu.memory_space<hbm>>
        %dma_wait3A_50 = tpu.memref_squeeze %dma_wait3A_49 : memref<8x1x32xf32, #tpu.memory_space<hbm>> -> memref<8x32xf32, #tpu.memory_space<hbm>>
        %dma_wait3A_51 = arith.constant 0 : i32
        %dma_wait3A_52 = arith.constant 0 : i32
        %dma_wait3A_53 = tpu.memref_slice %arg4[%dma_wait3A_51, %dma_wait3A_43, %dma_wait3A_52] : memref<8x64x32xf32, #tpu.memory_space<vmem>> -> memref<8x1x32xf32, #tpu.memory_space<vmem>>
        %dma_wait3A_54 = tpu.memref_squeeze %dma_wait3A_53 : memref<8x1x32xf32, #tpu.memory_space<vmem>> -> memref<8x32xf32, #tpu.memory_space<vmem>>
        %dma_wait3A_55 = arith.constant 0 : i32
        %dma_wait3A_56 = tpu.memref_slice %arg2[%add3A_11, %dma_wait3A_42, %dma_wait3A_55] : memref<4096x256x32xf32, #tpu.memory_space<hbm>> -> memref<8x1x32xf32, #tpu.memory_space<hbm>>
        %dma_wait3A_57 = tpu.memref_squeeze %dma_wait3A_56 : memref<8x1x32xf32, #tpu.memory_space<hbm>> -> memref<8x32xf32, #tpu.memory_space<hbm>>
        tpu.wait_dma2 semaphore(%arg5 : memref<!tpu.dma_semaphore, #tpu.memory_space<semaphore_mem>>) src(%dma_wait3A_57 : memref<8x32xf32, #tpu.memory_space<hbm>>) dst(%dma_wait3A_54 : memref<8x32xf32, #tpu.memory_space<vmem>>)
        %scan3A_58 = arith.constant 2 : i32
        %scan3A_59 = arith.addi %scan3A_24, %scan3A_58 : i32
        %dma_wait3A_60 = arith.constant 0 : i32
        %dma_wait3A_61 = arith.constant 0 : i32
        %dma_wait3A_62 = arith.constant 0 : i32
        %dma_wait3A_63 = arith.constant 0 : i32
        %dma_wait3A_64 = tpu.memref_slice %arg4[%dma_wait3A_62, %dma_wait3A_61, %dma_wait3A_63] : memref<8x64x32xf32, #tpu.memory_space<vmem>> -> memref<8x1x32xf32, #tpu.memory_space<vmem>>
        %dma_wait3A_65 = tpu.memref_squeeze %dma_wait3A_64 : memref<8x1x32xf32, #tpu.memory_space<vmem>> -> memref<8x32xf32, #tpu.memory_space<vmem>>
        %dma_wait3A_66 = arith.constant 0 : i32
        %dma_wait3A_67 = tpu.memref_slice %arg2[%add3A_11, %dma_wait3A_60, %dma_wait3A_66] : memref<4096x256x32xf32, #tpu.memory_space<hbm>> -> memref<8x1x32xf32, #tpu.memory_space<hbm>>
        %dma_wait3A_68 = tpu.memref_squeeze %dma_wait3A_67 : memref<8x1x32xf32, #tpu.memory_space<hbm>> -> memref<8x32xf32, #tpu.memory_space<hbm>>
        %dma_wait3A_69 = arith.constant 0 : i32
        %dma_wait3A_70 = arith.constant 0 : i32
        %dma_wait3A_71 = tpu.memref_slice %arg4[%dma_wait3A_69, %dma_wait3A_61, %dma_wait3A_70] : memref<8x64x32xf32, #tpu.memory_space<vmem>> -> memref<8x1x32xf32, #tpu.memory_space<vmem>>
        %dma_wait3A_72 = tpu.memref_squeeze %dma_wait3A_71 : memref<8x1x32xf32, #tpu.memory_space<vmem>> -> memref<8x32xf32, #tpu.memory_space<vmem>>
        %dma_wait3A_73 = arith.constant 0 : i32
        %dma_wait3A_74 = tpu.memref_slice %arg2[%add3A_11, %dma_wait3A_60, %dma_wait3A_73] : memref<4096x256x32xf32, #tpu.memory_space<hbm>> -> memref<8x1x32xf32, #tpu.memory_space<hbm>>
        %dma_wait3A_75 = tpu.memref_squeeze %dma_wait3A_74 : memref<8x1x32xf32, #tpu.memory_space<hbm>> -> memref<8x32xf32, #tpu.memory_space<hbm>>
        tpu.wait_dma2 semaphore(%arg5 : memref<!tpu.dma_semaphore, #tpu.memory_space<semaphore_mem>>) src(%dma_wait3A_75 : memref<8x32xf32, #tpu.memory_space<hbm>>) dst(%dma_wait3A_72 : memref<8x32xf32, #tpu.memory_space<vmem>>)
        %scan3A_76 = arith.constant 3 : i32
        %scan3A_77 = arith.addi %scan3A_24, %scan3A_76 : i32
        %dma_wait3A_78 = arith.constant 0 : i32
        %dma_wait3A_79 = arith.constant 0 : i32
        %dma_wait3A_80 = arith.constant 0 : i32
        %dma_wait3A_81 = arith.constant 0 : i32
        %dma_wait3A_82 = tpu.memref_slice %arg4[%dma_wait3A_80, %dma_wait3A_79, %dma_wait3A_81] : memref<8x64x32xf32, #tpu.memory_space<vmem>> -> memref<8x1x32xf32, #tpu.memory_space<vmem>>
        %dma_wait3A_83 = tpu.memref_squeeze %dma_wait3A_82 : memref<8x1x32xf32, #tpu.memory_space<vmem>> -> memref<8x32xf32, #tpu.memory_space<vmem>>
        %dma_wait3A_84 = arith.constant 0 : i32
        %dma_wait3A_85 = tpu.memref_slice %arg2[%add3A_11, %dma_wait3A_78, %dma_wait3A_84] : memref<4096x256x32xf32, #tpu.memory_space<hbm>> -> memref<8x1x32xf32, #tpu.memory_space<hbm>>
        %dma_wait3A_86 = tpu.memref_squeeze %dma_wait3A_85 : memref<8x1x32xf32, #tpu.memory_space<hbm>> -> memref<8x32xf32, #tpu.memory_space<hbm>>
        %dma_wait3A_87 = arith.constant 0 : i32
        %dma_wait3A_88 = arith.constant 0 : i32
        %dma_wait3A_89 = tpu.memref_slice %arg4[%dma_wait3A_87, %dma_wait3A_79, %dma_wait3A_88] : memref<8x64x32xf32, #tpu.memory_space<vmem>> -> memref<8x1x32xf32, #tpu.memory_space<vmem>>
        %dma_wait3A_90 = tpu.memref_squeeze %dma_wait3A_89 : memref<8x1x32xf32, #tpu.memory_space<vmem>> -> memref<8x32xf32, #tpu.memory_space<vmem>>
        %dma_wait3A_91 = arith.constant 0 : i32
        %dma_wait3A_92 = tpu.memref_slice %arg2[%add3A_11, %dma_wait3A_78, %dma_wait3A_91] : memref<4096x256x32xf32, #tpu.memory_space<hbm>> -> memref<8x1x32xf32, #tpu.memory_space<hbm>>
        %dma_wait3A_93 = tpu.memref_squeeze %dma_wait3A_92 : memref<8x1x32xf32, #tpu.memory_space<hbm>> -> memref<8x32xf32, #tpu.memory_space<hbm>>
        tpu.wait_dma2 semaphore(%arg5 : memref<!tpu.dma_semaphore, #tpu.memory_space<semaphore_mem>>) src(%dma_wait3A_93 : memref<8x32xf32, #tpu.memory_space<hbm>>) dst(%dma_wait3A_90 : memref<8x32xf32, #tpu.memory_space<vmem>>)
        %scan3A_94 = arith.constant 4 : i32
        %scan3A_95 = arith.addi %scan3A_24, %scan3A_94 : i32
        %dma_wait3A_96 = arith.constant 0 : i32
        %dma_wait3A_97 = arith.constant 0 : i32
        %dma_wait3A_98 = arith.constant 0 : i32
        %dma_wait3A_99 = arith.constant 0 : i32
        %dma_wait3A_100 = tpu.memref_slice %arg4[%dma_wait3A_98, %dma_wait3A_97, %dma_wait3A_99] : memref<8x64x32xf32, #tpu.memory_space<vmem>> -> memref<8x1x32xf32, #tpu.memory_space<vmem>>
        %dma_wait3A_101 = tpu.memref_squeeze %dma_wait3A_100 : memref<8x1x32xf32, #tpu.memory_space<vmem>> -> memref<8x32xf32, #tpu.memory_space<vmem>>
        %dma_wait3A_102 = arith.constant 0 : i32
        %dma_wait3A_103 = tpu.memref_slice %arg2[%add3A_11, %dma_wait3A_96, %dma_wait3A_102] : memref<4096x256x32xf32, #tpu.memory_space<hbm>> -> memref<8x1x32xf32, #tpu.memory_space<hbm>>
        %dma_wait3A_104 = tpu.memref_squeeze %dma_wait3A_103 : memref<8x1x32xf32, #tpu.memory_space<hbm>> -> memref<8x32xf32, #tpu.memory_space<hbm>>
        %dma_wait3A_105 = arith.constant 0 : i32
        %dma_wait3A_106 = arith.constant 0 : i32
        %dma_wait3A_107 = tpu.memref_slice %arg4[%dma_wait3A_105, %dma_wait3A_97, %dma_wait3A_106] : memref<8x64x32xf32, #tpu.memory_space<vmem>> -> memref<8x1x32xf32, #tpu.memory_space<vmem>>
        %dma_wait3A_108 = tpu.memref_squeeze %dma_wait3A_107 : memref<8x1x32xf32, #tpu.memory_space<vmem>> -> memref<8x32xf32, #tpu.memory_space<vmem>>
        %dma_wait3A_109 = arith.constant 0 : i32
        %dma_wait3A_110 = tpu.memref_slice %arg2[%add3A_11, %dma_wait3A_96, %dma_wait3A_109] : memref<4096x256x32xf32, #tpu.memory_space<hbm>> -> memref<8x1x32xf32, #tpu.memory_space<hbm>>
        %dma_wait3A_111 = tpu.memref_squeeze %dma_wait3A_110 : memref<8x1x32xf32, #tpu.memory_space<hbm>> -> memref<8x32xf32, #tpu.memory_space<hbm>>
        tpu.wait_dma2 semaphore(%arg5 : memref<!tpu.dma_semaphore, #tpu.memory_space<semaphore_mem>>) src(%dma_wait3A_111 : memref<8x32xf32, #tpu.memory_space<hbm>>) dst(%dma_wait3A_108 : memref<8x32xf32, #tpu.memory_space<vmem>>)
        %scan3A_112 = arith.constant 5 : i32
        %scan3A_113 = arith.addi %scan3A_24, %scan3A_112 : i32
        %dma_wait3A_114 = arith.constant 0 : i32
        %dma_wait3A_115 = arith.constant 0 : i32
        %dma_wait3A_116 = arith.constant 0 : i32
        %dma_wait3A_117 = arith.constant 0 : i32
        %dma_wait3A_118 = tpu.memref_slice %arg4[%dma_wait3A_116, %dma_wait3A_115, %dma_wait3A_117] : memref<8x64x32xf32, #tpu.memory_space<vmem>> -> memref<8x1x32xf32, #tpu.memory_space<vmem>>
        %dma_wait3A_119 = tpu.memref_squeeze %dma_wait3A_118 : memref<8x1x32xf32, #tpu.memory_space<vmem>> -> memref<8x32xf32, #tpu.memory_space<vmem>>
        %dma_wait3A_120 = arith.constant 0 : i32
        %dma_wait3A_121 = tpu.memref_slice %arg2[%add3A_11, %dma_wait3A_114, %dma_wait3A_120] : memref<4096x256x32xf32, #tpu.memory_space<hbm>> -> memref<8x1x32xf32, #tpu.memory_space<hbm>>
        %dma_wait3A_122 = tpu.memref_squeeze %dma_wait3A_121 : memref<8x1x32xf32, #tpu.memory_space<hbm>> -> memref<8x32xf32, #tpu.memory_space<hbm>>
        %dma_wait3A_123 = arith.constant 0 : i32
        %dma_wait3A_124 = arith.constant 0 : i32
        %dma_wait3A_125 = tpu.memref_slice %arg4[%dma_wait3A_123, %dma_wait3A_115, %dma_wait3A_124] : memref<8x64x32xf32, #tpu.memory_space<vmem>> -> memref<8x1x32xf32, #tpu.memory_space<vmem>>
        %dma_wait3A_126 = tpu.memref_squeeze %dma_wait3A_125 : memref<8x1x32xf32, #tpu.memory_space<vmem>> -> memref<8x32xf32, #tpu.memory_space<vmem>>
        %dma_wait3A_127 = arith.constant 0 : i32
        %dma_wait3A_128 = tpu.memref_slice %arg2[%add3A_11, %dma_wait3A_114, %dma_wait3A_127] : memref<4096x256x32xf32, #tpu.memory_space<hbm>> -> memref<8x1x32xf32, #tpu.memory_space<hbm>>
        %dma_wait3A_129 = tpu.memref_squeeze %dma_wait3A_128 : memref<8x1x32xf32, #tpu.memory_space<hbm>> -> memref<8x32xf32, #tpu.memory_space<hbm>>
        tpu.wait_dma2 semaphore(%arg5 : memref<!tpu.dma_semaphore, #tpu.memory_space<semaphore_mem>>) src(%dma_wait3A_129 : memref<8x32xf32, #tpu.memory_space<hbm>>) dst(%dma_wait3A_126 : memref<8x32xf32, #tpu.memory_space<vmem>>)
        %scan3A_130 = arith.constant 6 : i32
        %scan3A_131 = arith.addi %scan3A_24, %scan3A_130 : i32
        %dma_wait3A_132 = arith.constant 0 : i32
        %dma_wait3A_133 = arith.constant 0 : i32
        %dma_wait3A_134 = arith.constant 0 : i32
        %dma_wait3A_135 = arith.constant 0 : i32
        %dma_wait3A_136 = tpu.memref_slice %arg4[%dma_wait3A_134, %dma_wait3A_133, %dma_wait3A_135] : memref<8x64x32xf32, #tpu.memory_space<vmem>> -> memref<8x1x32xf32, #tpu.memory_space<vmem>>
        %dma_wait3A_137 = tpu.memref_squeeze %dma_wait3A_136 : memref<8x1x32xf32, #tpu.memory_space<vmem>> -> memref<8x32xf32, #tpu.memory_space<vmem>>
        %dma_wait3A_138 = arith.constant 0 : i32
        %dma_wait3A_139 = tpu.memref_slice %arg2[%add3A_11, %dma_wait3A_132, %dma_wait3A_138] : memref<4096x256x32xf32, #tpu.memory_space<hbm>> -> memref<8x1x32xf32, #tpu.memory_space<hbm>>
        %dma_wait3A_140 = tpu.memref_squeeze %dma_wait3A_139 : memref<8x1x32xf32, #tpu.memory_space<hbm>> -> memref<8x32xf32, #tpu.memory_space<hbm>>
        %dma_wait3A_141 = arith.constant 0 : i32
        %dma_wait3A_142 = arith.constant 0 : i32
        %dma_wait3A_143 = tpu.memref_slice %arg4[%dma_wait3A_141, %dma_wait3A_133, %dma_wait3A_142] : memref<8x64x32xf32, #tpu.memory_space<vmem>> -> memref<8x1x32xf32, #tpu.memory_space<vmem>>
        %dma_wait3A_144 = tpu.memref_squeeze %dma_wait3A_143 : memref<8x1x32xf32, #tpu.memory_space<vmem>> -> memref<8x32xf32, #tpu.memory_space<vmem>>
        %dma_wait3A_145 = arith.constant 0 : i32
        %dma_wait3A_146 = tpu.memref_slice %arg2[%add3A_11, %dma_wait3A_132, %dma_wait3A_145] : memref<4096x256x32xf32, #tpu.memory_space<hbm>> -> memref<8x1x32xf32, #tpu.memory_space<hbm>>
        %dma_wait3A_147 = tpu.memref_squeeze %dma_wait3A_146 : memref<8x1x32xf32, #tpu.memory_space<hbm>> -> memref<8x32xf32, #tpu.memory_space<hbm>>
        tpu.wait_dma2 semaphore(%arg5 : memref<!tpu.dma_semaphore, #tpu.memory_space<semaphore_mem>>) src(%dma_wait3A_147 : memref<8x32xf32, #tpu.memory_space<hbm>>) dst(%dma_wait3A_144 : memref<8x32xf32, #tpu.memory_space<vmem>>)
        %scan3A_148 = arith.constant 7 : i32
        %scan3A_149 = arith.addi %scan3A_24, %scan3A_148 : i32
        %dma_wait3A_150 = arith.constant 0 : i32
        %dma_wait3A_151 = arith.constant 0 : i32
        %dma_wait3A_152 = arith.constant 0 : i32
        %dma_wait3A_153 = arith.constant 0 : i32
        %dma_wait3A_154 = tpu.memref_slice %arg4[%dma_wait3A_152, %dma_wait3A_151, %dma_wait3A_153] : memref<8x64x32xf32, #tpu.memory_space<vmem>> -> memref<8x1x32xf32, #tpu.memory_space<vmem>>
        %dma_wait3A_155 = tpu.memref_squeeze %dma_wait3A_154 : memref<8x1x32xf32, #tpu.memory_space<vmem>> -> memref<8x32xf32, #tpu.memory_space<vmem>>
        %dma_wait3A_156 = arith.constant 0 : i32
        %dma_wait3A_157 = tpu.memref_slice %arg2[%add3A_11, %dma_wait3A_150, %dma_wait3A_156] : memref<4096x256x32xf32, #tpu.memory_space<hbm>> -> memref<8x1x32xf32, #tpu.memory_space<hbm>>
        %dma_wait3A_158 = tpu.memref_squeeze %dma_wait3A_157 : memref<8x1x32xf32, #tpu.memory_space<hbm>> -> memref<8x32xf32, #tpu.memory_space<hbm>>
        %dma_wait3A_159 = arith.constant 0 : i32
        %dma_wait3A_160 = arith.constant 0 : i32
        %dma_wait3A_161 = tpu.memref_slice %arg4[%dma_wait3A_159, %dma_wait3A_151, %dma_wait3A_160] : memref<8x64x32xf32, #tpu.memory_space<vmem>> -> memref<8x1x32xf32, #tpu.memory_space<vmem>>
        %dma_wait3A_162 = tpu.memref_squeeze %dma_wait3A_161 : memref<8x1x32xf32, #tpu.memory_space<vmem>> -> memref<8x32xf32, #tpu.memory_space<vmem>>
        %dma_wait3A_163 = arith.constant 0 : i32
        %dma_wait3A_164 = tpu.memref_slice %arg2[%add3A_11, %dma_wait3A_150, %dma_wait3A_163] : memref<4096x256x32xf32, #tpu.memory_space<hbm>> -> memref<8x1x32xf32, #tpu.memory_space<hbm>>
        %dma_wait3A_165 = tpu.memref_squeeze %dma_wait3A_164 : memref<8x1x32xf32, #tpu.memory_space<hbm>> -> memref<8x32xf32, #tpu.memory_space<hbm>>
        tpu.wait_dma2 semaphore(%arg5 : memref<!tpu.dma_semaphore, #tpu.memory_space<semaphore_mem>>) src(%dma_wait3A_165 : memref<8x32xf32, #tpu.memory_space<hbm>>) dst(%dma_wait3A_162 : memref<8x32xf32, #tpu.memory_space<vmem>>)
      }
      %scan3A_23 = arith.constant 64 : i32
      "tpu.region"() ({
        %run_scoped3A = tpu.sem_alloc : memref<!tpu.dma_semaphore, #tpu.memory_space<semaphore_mem>>
        %dma_start3A = arith.constant 0 : i32
        %dma_start3A_24 = arith.constant 0 : i32
        %dma_start3A_25 = tpu.memref_slice %arg3[%add3A_11, %dma_start3A, %dma_start3A_24] : memref<4096x64x32xf32, #tpu.memory_space<hbm>> -> memref<8x64x32xf32, #tpu.memory_space<hbm>>
        %dma_start3A_26 = arith.constant 0 : i32
        %dma_start3A_27 = arith.constant 0 : i32
        %dma_start3A_28 = tpu.memref_slice %arg3[%add3A_11, %dma_start3A_26, %dma_start3A_27] : memref<4096x64x32xf32, #tpu.memory_space<hbm>> -> memref<8x64x32xf32, #tpu.memory_space<hbm>>
        tpu.enqueue_dma source(%arg4 : memref<8x64x32xf32, #tpu.memory_space<vmem>>) target(%dma_start3A_28 : memref<8x64x32xf32, #tpu.memory_space<hbm>>) target_semaphore(%run_scoped3A : memref<!tpu.dma_semaphore, #tpu.memory_space<semaphore_mem>>)
        %dma_wait3A = arith.constant 0 : i32
        %dma_wait3A_29 = arith.constant 0 : i32
        %dma_wait3A_30 = tpu.memref_slice %arg3[%add3A_11, %dma_wait3A, %dma_wait3A_29] : memref<4096x64x32xf32, #tpu.memory_space<hbm>> -> memref<8x64x32xf32, #tpu.memory_space<hbm>>
        %dma_wait3A_31 = arith.constant 0 : i32
        %dma_wait3A_32 = arith.constant 0 : i32
        %dma_wait3A_33 = tpu.memref_slice %arg3[%add3A_11, %dma_wait3A_31, %dma_wait3A_32] : memref<4096x64x32xf32, #tpu.memory_space<hbm>> -> memref<8x64x32xf32, #tpu.memory_space<hbm>>
        tpu.wait_dma2 semaphore(%run_scoped3A : memref<!tpu.dma_semaphore, #tpu.memory_space<semaphore_mem>>) src(%arg4 : memref<8x64x32xf32, #tpu.memory_space<vmem>>) dst(%dma_wait3A_33 : memref<8x64x32xf32, #tpu.memory_space<hbm>>)
        tpu.yield
      }) : () -> ()
    }
    %scan3A_7 = arith.constant 16 : i32
    return
  }
}

module attributes {stable_mosaic.version = 14 : i64} {
  func.func @_dirs_body(%arg0: i32, %arg1: i32, %arg2: memref<512x1x1x3xf32, #tpu.memory_space<vmem>>, %arg3: memref<512x1x1x3xf32, #tpu.memory_space<vmem>>) attributes {dimension_semantics = [#tpu.dimension_semantics<arbitrary>, #tpu.dimension_semantics<arbitrary>], iteration_bounds = array<i64: 8, 64>, scalar_prefetch = 0 : i64, scratch_operands = 0 : i64, tpu.core_type = #tpu.core_type<tc>, window_params = [{transform_indices = @transform_0, window_bounds = array<i64: 512, 1, 1, 3>}, {transform_indices = @transform_1, window_bounds = array<i64: 512, 1, 1, 3>}]} {
    %get3A = arith.constant 0 : index
    %get3A_0 = arith.constant 0 : index
    %get3A_1 = arith.constant 0 : index
    %get3A_2 = arith.constant 0 : index
    %get3A_3 = vector.load %arg2[%get3A, %get3A_0, %get3A_1, %get3A_2] : memref<512x1x1x3xf32, #tpu.memory_space<vmem>>, vector<512x1x1x3xf32>
    %swap3A = arith.constant 0 : index
    %swap3A_4 = arith.constant 0 : index
    %swap3A_5 = arith.constant 0 : index
    %swap3A_6 = arith.constant 0 : index
    %swap3A_7 = vector.load %arg3[%swap3A, %swap3A_4, %swap3A_5, %swap3A_6] : memref<512x1x1x3xf32, #tpu.memory_space<vmem>>, vector<512x1x1x3xf32>
    tpu.vector_store %arg3[%swap3A, %swap3A_4, %swap3A_5, %swap3A_6], %get3A_3 {strides = array<i32>} : memref<512x1x1x3xf32, #tpu.memory_space<vmem>>, vector<512x1x1x3xf32>,
    return
  }
  func.func @transform_0(%arg0: i32, %arg1: i32) -> (i32, i32, i32, i32) {
    %mul3A = arith.constant 4 : i32
    %mul3A_0 = arith.muli %mul3A, %arg1 : i32
    %add3A = arith.constant 0 : i32
    %add3A_1 = arith.addi %add3A, %mul3A_0 : i32
    %c0_i32 = arith.constant 0 : i32
    %c0_i32_2 = arith.constant 0 : i32
    %c0_i32_3 = arith.constant 0 : i32
    return %arg0, %add3A_1, %c0_i32, %c0_i32_2 : i32, i32, i32, i32
  }
  func.func @transform_1(%arg0: i32, %arg1: i32) -> (i32, i32, i32, i32) {
    %c0_i32 = arith.constant 0 : i32
    %c0_i32_0 = arith.constant 0 : i32
    %c0_i32_1 = arith.constant 0 : i32
    return %arg0, %arg1, %c0_i32, %c0_i32_0 : i32, i32, i32, i32
  }
}

</mosaic_0001>

<sc_bundles>
// kernel: kernel.4.cloned.1.call-start
scs
__scs_entry_jumppad:
0x0: {  	(pc) =	sbr.rel $0x88, $3  }
0x1: {  	(tag) =	ssettag $0x0;
	lr =	simm.s32 $0x1  }
0x2: {  	[smem:$0x3F9F] =	sst lr;
	_ =	strace $0xD0000000  }
0x3: {  	_ = 	snop  }
0x4: {  	_ = 	snop  }
0x5: {  	_ = 	snop  }
0x6: {  	_ = 	snop  }
0x7: {  	_ = 	snop  }
__scs_overlays_trampoline_lowered:
0x8: {  	[smem:$0x3FAE] =	sst s0  }
0x9: {  	[smem:$0x3FAF] =	sst s1  }
0xa: {  	[smem:$0x3FB0] =	sst s2  }
0xb: {  	[smem:$0x3FB1] =	sst s3  }
0xc: {  	[smem:$0x3FB2] =	sst s4  }
0xd: {  	[smem:$0x3FB3] =	sst s5  }
0xe: {  	[smem:$0x3FB4] =	sst s6  }
0xf: {  	[smem:$0x3FB5] =	sst s7  }
0x10: {  	[smem:$0x3FB6] =	sst s8  }
0x11: {  	[smem:$0x3FB7] =	sst s9;
	s0 =	simm.s32 @!p0 $0x0  }
0x12: {  	s1 =	sld [smem:$0x3F9D];
	s0 =	simm.s32 @p0 $0x1  }
0x13: {  	[smem:$0x3FB8] =	sst s0;
	s0 =	simm.s32 @!p1 $0x0  }
0x14: {  	s2 =	sld [smem:$0x3F9C];
	s0 =	simm.s32 @p1 $0x1  }
0x15: {  	[smem:$0x3FB9] =	sst s0;
	s0 =	simm.s32 @!p2 $0x0  }
0x16: {  	s3 =	sld [smem:$0x3FDB];
	s0 =	simm.s32 @p2 $0x1  }
0x17: {  	s4 =	simm.s32 $0x1BF5;
	[smem:$0x3FBB] =	sst s0  }
0x18: {  	s0 =	sld [smem:$0x3F9E];
	_ =	swait.ge [sflag:s4], $0x0  }
0x19: {  	s7 =	sld [smem:$0x3F9F]  }
0x1a: {  	s8 =	sadd.s32 $0xFFFFE003, lr  }
0x1b: {  	s9 =	sadd.s32 $0xFFFFFEF7, lr;
	s5 =	simm.s32 $0xFFFFFFFF;
	p2 =	slt.u32 s8, $0xFFFFF086  }
0x1c: {  	p1 =	slt.u32 s9, $0xF7A;
	s5 =	simm.s32 @!p2 $0x0  }
0x1d: {  	s5 =	simm.s32 @p1 $0x1;
	p0 =	seq.s32 s7, s2  }
0x1e: {  	s7 =	smul.u32 @!p0 $0xF7A, s2;
	p2 =	seq.s32 @!p0 s5, $0x0  }
0x1f: {  	s9 =	smul.u32 $0xF7A, s1;
	s8 =	simm.s32 @!p0 $0x1BF5;
	p2 =	por !p2, p0  }
0x20: {  	[sflag:s8] =	ssyncset.s32 @!p0 $0xFFFFF086;
	s6 =	sadd.s32 @!p0 s3, s7;
	s7 =	simm.s32 @!p0 $0x108  }
0x21: {  	s3 =	sadd.s32 s3, s9;
	s6 =	sadd.s32 @!p0 $0x88, s6;
	s7 =	simm.s32 @p2 $0x1082  }
0x22: {  	[simem:s7], [sflag:s8] =	dma.local @!p0 [hbm:s6], $0xF7A  }
0x23: {  	s9 =	sor.u32 $0xD0000000, s2;
	s6 =	simm.s32 $0x108;
	_ =	swait.ge @!p0 [sflag:s8], $0x0  }
0x24: {  	s3 =	sadd.s32 $0x88, s3;
	s6 =	simm.s32 @!p1 $0x1082;
	[sflag:s4] =	ssyncset.s32 $0xFFFFF086  }
0x25: {  	[simem:s6], [sflag:s4] =	dma.local [hbm:s3], $0xF7A  }
0x26: {  	[smem:$0x3F9F] =	sst s1;
	(tag) =	ssettag s2;
	_ =	strace s9  }
0x27: {  	s1 =	sld [smem:$0x3FAF]  }
0x28: {  	s2 =	sld [smem:$0x3FB0]  }
0x29: {  	s4 =	sld [smem:$0x3FB2]  }
0x2a: {  	p0 =	seq.s32 s5, $0x0;
	s5 =	sld [smem:$0x3FB3]  }
0x2b: {  	s6 =	sld [smem:$0x3FB4]  }
0x2c: {  	s7 =	sld [smem:$0x3FB5]  }
0x2d: {  	s3 =	simm.s32 $0x108;
	s8 =	sld [smem:$0x3FB6]  }
0x2e: {  	s3 =	simm.s32 @!p0 $0x1082;
	s9 =	sld [smem:$0x3FB7]  }
0x2f: {  	lr =	sadd.s32 s0, s3;
	s0 =	sld [smem:$0x3FAE]  }
0x30: {  	s3 =	sld [smem:$0x3FB1]  }
0x31: {  	[smem:$0x3FBA] =	sst s10  }
0x32: {  	s10 =	sld [smem:$0x3FB8];
	_ =	sdelay $0x3  }
0x33: {  	p0 =	seq.s32 s10, $0x1;
	s10 =	sld [smem:$0x3FBA];
	_ =	sdelay $0x3  }
0x34: {  	[smem:$0x3FBA] =	sst s10  }
0x35: {  	s10 =	sld [smem:$0x3FB9];
	_ =	sdelay $0x3  }
0x36: {  	p1 =	seq.s32 s10, $0x1;
	s10 =	sld [smem:$0x3FBA];
	_ =	sdelay $0x3  }
0x37: {  	[smem:$0x3FBA] =	sst s10  }
0x38: {  	s10 =	sld [smem:$0x3FBB]  }
0x39: {  	_ = 	snop;
	(pc) =	sbr.ind lr, $3  }
0x3a: {  	_ = 	snop  }
0x3b: {  	_ = 	snop  }
0x3c: {  	p2 =	seq.s32 s10, $0x1;
	s10 =	sld [smem:$0x3FBA]  }
0x3d: {  	_ =	shalt  }
0x3e: {  	_ =	shalt  }
0x3f: {  	_ =	shalt  }
0x40: {  	_ =	shalt  }
0x41: {  	_ =	shalt  }
0x42: {  	_ =	shalt  }
0x43: {  	_ =	shalt  }
0x44: {  	_ =	shalt  }
0x45: {  	_ =	shalt  }
0x46: {  	_ =	shalt  }
0x47: {  	_ =	shalt  }
0x48: {  	_ =	shalt  }
0x49: {  	_ =	shalt  }
0x4a: {  	_ =	shalt  }
0x4b: {  	_ =	shalt  }
0x4c: {  	_ =	shalt  }
0x4d: {  	_ =	shalt  }
0x4e: {  	_ =	shalt  }
0x4f: {  	_ =	shalt  }
0x50: {  	_ =	shalt  }
0x51: {  	_ =	shalt  }
0x52: {  	_ =	shalt  }
0x53: {  	_ =	shalt  }
0x54: {  	_ =	shalt  }
0x55: {  	_ =	shalt  }
0x56: {  	_ =	shalt  }
0x57: {  	_ =	shalt  }
0x58: {  	_ =	shalt  }
0x59: {  	_ =	shalt  }
0x5a: {  	_ =	shalt  }
0x5b: {  	_ =	shalt  }
0x5c: {  	_ =	shalt  }
0x5d: {  	_ =	shalt  }
0x5e: {  	_ =	shalt  }
0x5f: {  	_ =	shalt  }
0x60: {  	_ =	shalt  }
0x61: {  	_ =	shalt  }
0x62: {  	_ =	shalt  }
0x63: {  	_ =	shalt  }
0x64: {  	_ =	shalt  }
0x65: {  	_ =	shalt  }
0x66: {  	_ =	shalt  }
0x67: {  	_ =	shalt  }
0x68: {  	_ =	shalt  }
0x69: {  	_ =	shalt  }
0x6a: {  	_ =	shalt  }
0x6b: {  	_ =	shalt  }
0x6c: {  	_ =	shalt  }
0x6d: {  	_ =	shalt  }
0x6e: {  	_ =	shalt  }
0x6f: {  	_ =	shalt  }
0x70: {  	_ =	shalt  }
0x71: {  	_ =	shalt  }
0x72: {  	_ =	shalt  }
0x73: {  	_ =	shalt  }
0x74: {  	_ =	shalt  }
0x75: {  	_ =	shalt  }
0x76: {  	_ =	shalt  }
0x77: {  	_ =	shalt  }
0x78: {  	_ =	shalt  }
0x79: {  	_ =	shalt  }
0x7a: {  	_ =	shalt  }
0x7b: {  	_ =	shalt  }
0x7c: {  	_ =	shalt  }
0x7d: {  	_ =	shalt  }
0x7e: {  	_ =	shalt  }
0x7f: {  	_ =	shalt  }
0x80: {  	_ =	shalt  }
0x81: {  	_ =	shalt  }
0x82: {  	_ =	shalt  }
0x83: {  	_ =	shalt  }
0x84: {  	_ =	shalt  }
0x85: {  	_ =	shalt  }
0x86: {  	_ =	shalt  }
0x87: {  	_ =	shalt  }
.Lfunc_end0:
.L_simem_size_0:
called_computation_lowered:
.L_overlay_start_0:
0x88: {  	s2 =	sld [smem:$0x3FD9]  }
0x89: {  	s3 =	sld [smem:$0x3FFE];
	_ =	sdelay $0x1  }
0x8a: {  	s1 =	srdreg.scid  }
0x8b: {  	s0 =	sand.u32 $0x1, s1  }
0x8c: {  	s16 =	sshll.u32 s0, $0xA;
	s2 =	sadd.s32 s3, s2  }
0x8d: {  	s2 =	sadd.s32 s2, s16  }
0x8e: {  	[smem:$0x3FC6] =	sst s2  }
0x8f: {  	_ = 	snop  }
0x90: {  	(tm) =	ssettm $0x1  }
0x91: {  	s17 =	sld [smem:$0x3FFB];
	_ =	sdelay $0x3  }
0x92: {  	_ =	strace s17  }
0x93: {  	s2 =	sld [smem:$0x3FFC];
	_ =	sdelay $0x3  }
0x94: {  	_ =	strace s2  }
0x95: {  	s2 =	sld [smem:$0x3FFD];
	_ =	sdelay $0x3  }
0x96: {  	_ =	strace s2  }
0x97: {  	_ =	strace $0x8FFFFFFF  }
0x98: {  	s18 =	sld [smem:$0x3FDB];
	_ =	sdelay $0x1  }
0x99: {  	s19 =	simm.s32 $_scs_section_size  }
0x9a: {  	s4 =	simm.s32 $_size__tile_overlayer_lowered;
	s5 =	simm.s32 $_tile_overlayer_lowered  }
0x9b: {  	s22 =	simm.s32 $0x1BFF;
	s21 =	sshll.u32 s5, $0x1;
	s2 =	sadd.s32 s19, s18  }
0x9c: {  	s6 =	simm.s32 $0x0;
	s20 =	sshll.u32 s4, $0x1;
	s4 =	sadd.s32 s21, s2  }
0x9d: {  	[timem:s6], [sflag:s22] =	dma.local [hbm:s4], s20  }
0x9e: {  	_ =	swait.ge [sflag:s22], s20  }
0x9f: {  	s3 =	ssub.s32 $0x0, s20;
	[sflag:s22] =	ssyncset.done $0x0  }
0xa0: {  	[sflag:s22] =	ssyncadd.s32 s3;
	_ =	sdelay $0x1  }
0xa1: {  	s23 =	simm.s32 $0x1B8B  }
0xa2: {  	_ =	swait.ge [sflag:s23], $0x1  }
0xa3: {  	[sflag:s23] =	ssyncset.done $0x0  }
0xa4: {  	s25 =	simm.s32 $0x1B8E;
	s24 =	sld [smem:$0x3FFE];
	[sflag:s23] =	ssyncadd.s32 $0xFFFFFFFF  }
0xa5: {  	s26 =	simm.s32 $execute0_lowered;
	[smem:$0x3FD2] =	sst s25  }
0xa6: {  	s4 =	sshll.u32 s26, $0x1;
	_ =	strace $0x80000046;
	[dreg:$0x1] =	wrdreg $0xFFFFFFFF  }
0xa7: {  	s28 =	simm.s32 $_size_execute0_lowered;
	s2 =	sadd.s32 s2, s4;
	[dreg:$0x0] =	wrdreg $0x0  }
0xa8: {  	s4 =	sshll.u32 s28, $0x1;
	[dreg:$0x2] =	wrdreg s2  }
0xa9: {  	[dreg:$0x3] =	wrdreg s4  }
0xaa: {  	[dreg:$0x4] =	wrdreg $0xC0  }
0xab: {  	_ =	task [dreg:s6], $0x5FFFF  }
0xac: {  	[dreg:$0x1] =	wrdreg $0xFFFFFFFF  }
0xad: {  	[dreg:$0x0] =	wrdreg $0x60  }
0xae: {  	[dreg:$0x2] =	wrdreg s24  }
0xaf: {  	[dreg:$0x3] =	wrdreg $0x9  }
0xb0: {  	_ =	task.clear_ibuf [dreg:s6], $0x4FFFF;
	_ =	strace $0x90000046  }
0xb1: {  	s29 =	simm.s32 $0x9;
	_ =	strace $0x80000048  }
0xb2: {  	_ =	swait.ge [sflag:s29], $0x1  }
0xb3: {  	[sflag:s29] =	ssyncadd.s32 $0xFFFFFFFF  }
0xb4: {  	_ =	strace $0x90000048  }
0xb5: {  	_ =	sfence  }
0xb6: {  	s30 =	sld [smem:$0x0];
	_ =	sdelay $0x2  }
0xb7: {  	s31 =	sshll.u32 s1, $0xD;
	s1 =	sshrl.u32 s1, $0x2  }
0xb8: {  	s3 =	sand.u32 $0x4000, s31;
	s1 =	sadd.s32 s1, s30  }
0xb9: {  	s0 =	sor.u32 s3, s0;
	s1 =	sshll.u32 s1, $0x11  }
0xba: {  	s0 =	sor.u32 s1, s0  }
0xbb: {  	s0 =	sadd.s32 $0x8F2B, s0  }
0xbc: {  	[sflag:s0] =	ssyncadd.remote.s32 $0x1  }
0xbd: {  	_ =	sfence.sel $0xFFFF  }
0xbe: {  	[dreg:$0x0] =	wrdreg $0xFFFFFFFF;
	(pc) =	sbr.abs _section_cstart, $3  }
0xbf: {  	[dreg:$0x1] =	wrdreg $0xFFFFFFFF  }
0xc0: {  	_ =	task.clear_ibuf [dreg:s6], $0x2FFFF;
	_ =	strace $0x9FFFFFFF  }
0xc1: {  	(tm) =	ssettm $0x7FFFFFFF  }
tec
execute0_lowered:
.L_overlay_start_1:
0x0: {  	(tag) =	ssettag $0x1  }
0x1: {  	s4 =	rddreg [dreg:$0x0]  }
0x2: {  	s0 =	rddreg [dreg:$0x1];
	s2 =	simm.s32 $0x0;
	s3 =	srdreg.scid  }
0x3: {  	s1 =	stileid.u32;
	[smem:$0x7FF] =	sst s2;
	s5 =	sand.u32 $0x1, s3  }
0x4: {  	s6 =	sshll.u32 s1, $0x17;
	s3 =	sadd.s32 $0x600, s4;
	s4 =	sadd.s32 $0x1000600, s4  }
0x5: {  	s30 =	sshll.u32 s1, $0x8;
	_ =	strace $0x80000047;
	s7 =	sshll.u32 s5, $0x16  }
0x6: {  	s8 =	ssub.s32 $0x2, s5;
	s5 =	sshll.u32 s5, $0x7;
	s6 =	sor.u32 s7, s6  }
0x7: {  	s24 =	sshrl.u32 s8, $0x1;
	s5 =	sor.u32 s5, s30;
	s9 =	sor.u32 $0xC00, s6  }
0x8: {  	s7 =	ssub.s32 s8, s24;
	s26 =	sor.u32 $0x800, s6;
	s31 =	sshrl.u32 s6, $0x3  }
0x9: {  	s29 =	sor.u32 $0x400, s6;
	s25 =	sshrl.u32 s9, $0x3;
	[dreg:$0x2] =	wrdreg s31  }
0xa: {  	s8 =	simm.s32 $0x2;
	s28 =	sshrl.u32 s26, $0x3;
	[dreg:$0x5] =	wrdreg s25  }
0xb: {  	s9 =	sshrl.u32 s29, $0x3;
	s6 =	smax.u32 s7, $0x1;
	[dreg:$0x4] =	wrdreg s28  }
0xc: {  	s7 =	simm.s32 $0x1;
	[dreg:$0x3] =	wrdreg s9;
	s9 =	simm.s32 $0x0  }
.LBB2_1:
0xd: {  	s10 =	smov.u32 s3;
	s11 =	simm.s32 $0x0  }
.LBB2_2:
0xe: {  	s12 =	rddreg [dreg:$0x2]  }
0xf: {  	s13 =	simm.s32 $0x0;
	s12 =	sadd.s32 s10, s12  }
0x10: {  	[tilespmem:s13], [sflag:$0x1] =	stream.linear.gather [hbm4b:s12+s2], $0x80, $0x38;
	[tilespmem:$0x10000] =	vst v63  }
0x11: {  	s14 =	simm.s32 $0x2000;
	s22 =	sadd.s32 $0x1000, s12  }
0x12: {  	[tilespmem:s14], [sflag:$0x1] =	stream.linear.gather [hbm4b:s22+s2], $0x80, $0x38;
	[tilespmem:$0x10000] =	vst v63  }
0x13: {  	s24 =	simm.s32 $0x4000;
	s23 =	sadd.s32 $0x2000, s12  }
0x14: {  	[tilespmem:s24], [sflag:$0x1] =	stream.linear.gather [hbm4b:s23+s2], $0x80, $0x38;
	[tilespmem:$0x10000] =	vst v63  }
0x15: {  	s26 =	simm.s32 $0x6000;
	s25 =	sadd.s32 $0x3000, s12  }
0x16: {  	[tilespmem:s26], [sflag:$0x1] =	stream.linear.gather [hbm4b:s25+s2], $0x80, $0x38;
	[tilespmem:$0x10000] =	vst v63  }
0x17: {  	s29 =	simm.s32 $0x8000;
	s28 =	sadd.s32 $0x4000, s12  }
0x18: {  	[tilespmem:s29], [sflag:$0x1] =	stream.linear.gather [hbm4b:s28+s2], $0x80, $0x38;
	[tilespmem:$0x10000] =	vst v63  }
0x19: {  	s31 =	simm.s32 $0xA000;
	s30 =	sadd.s32 $0x5000, s12  }
0x1a: {  	[tilespmem:s31], [sflag:$0x1] =	stream.linear.gather [hbm4b:s30+s2], $0x80, $0x38;
	[tilespmem:$0x10000] =	vst v63  }
0x1b: {  	s16 =	simm.s32 $0xC000;
	s15 =	sadd.s32 $0x6000, s12  }
0x1c: {  	[tilespmem:s16], [sflag:$0x1] =	stream.linear.gather [hbm4b:s15+s2], $0x80, $0x38;
	[tilespmem:$0x10000] =	vst v63  }
0x1d: {  	s18 =	simm.s32 $0xE000;
	s17 =	sadd.s32 $0x7000, s12  }
0x1e: {  	[tilespmem:s18], [sflag:$0x1] =	stream.linear.gather [hbm4b:s17+s2], $0x80, $0x38;
	[tilespmem:$0x10000] =	vst v63  }
0x1f: {  	s19 =	simm.s32 $0x80;
	s20 =	sadd.s32 $0x40, s12  }
0x20: {  	[tilespmem:s19], [sflag:$0x1] =	stream.linear.gather [hbm4b:s20+s2], $0x80, $0x38;
	[tilespmem:$0x10000] =	vst v63  }
0x21: {  	s21 =	sadd.s32 $0x1040, s12;
	s22 =	simm.s32 $0x2080  }
0x22: {  	[tilespmem:s22], [sflag:$0x1] =	stream.linear.gather [hbm4b:s21+s2], $0x80, $0x38;
	[tilespmem:$0x10000] =	vst v63  }
0x23: {  	s23 =	sadd.s32 $0x2040, s12;
	s24 =	simm.s32 $0x4080  }
0x24: {  	[tilespmem:s24], [sflag:$0x1] =	stream.linear.gather [hbm4b:s23+s2], $0x80, $0x38;
	[tilespmem:$0x10000] =	vst v63  }
0x25: {  	s25 =	sadd.s32 $0x3040, s12;
	s26 =	simm.s32 $0x6080  }
0x26: {  	[tilespmem:s26], [sflag:$0x1] =	stream.linear.gather [hbm4b:s25+s2], $0x80, $0x38;
	[tilespmem:$0x10000] =	vst v63  }
0x27: {  	s28 =	sadd.s32 $0x4040, s12;
	s29 =	simm.s32 $0x8080  }
0x28: {  	[tilespmem:s29], [sflag:$0x1] =	stream.linear.gather [hbm4b:s28+s2], $0x80, $0x38;
	[tilespmem:$0x10000] =	vst v63  }
0x29: {  	s30 =	sadd.s32 $0x5040, s12;
	s31 =	simm.s32 $0xA080  }
0x2a: {  	[tilespmem:s31], [sflag:$0x1] =	stream.linear.gather [hbm4b:s30+s2], $0x80, $0x38;
	[tilespmem:$0x10000] =	vst v63  }
0x2b: {  	s14 =	sadd.s32 $0x6040, s12;
	s16 =	simm.s32 $0xC080  }
0x2c: {  	[tilespmem:s16], [sflag:$0x1] =	stream.linear.gather [hbm4b:s14+s2], $0x80, $0x38;
	[tilespmem:$0x10000] =	vst v63  }
0x2d: {  	s12 =	sadd.s32 $0x7040, s12;
	s15 =	rddreg [dreg:$0x3];
	s17 =	simm.s32 $0xE080  }
0x2e: {  	[tilespmem:s17], [sflag:$0x1] =	stream.linear.gather [hbm4b:s12+s2], $0x80, $0x38;
	[tilespmem:$0x10000] =	vst v63  }
0x2f: {  	s13 =	sadd.s32 s10, s15;
	s18 =	simm.s32 $0x100  }
0x30: {  	[tilespmem:s18], [sflag:$0x1] =	stream.linear.gather [hbm4b:s13+s2], $0x80, $0x38;
	[tilespmem:$0x10000] =	vst v63  }
0x31: {  	s19 =	sadd.s32 $0x1000, s13;
	s20 =	simm.s32 $0x2100  }
0x32: {  	[tilespmem:s20], [sflag:$0x1] =	stream.linear.gather [hbm4b:s19+s2], $0x80, $0x38;
	[tilespmem:$0x10000] =	vst v63  }
0x33: {  	s21 =	sadd.s32 $0x2000, s13;
	s22 =	simm.s32 $0x4100  }
0x34: {  	[tilespmem:s22], [sflag:$0x1] =	stream.linear.gather [hbm4b:s21+s2], $0x80, $0x38;
	[tilespmem:$0x10000] =	vst v63  }
0x35: {  	s23 =	sadd.s32 $0x3000, s13;
	s24 =	simm.s32 $0x6100  }
0x36: {  	[tilespmem:s24], [sflag:$0x1] =	stream.linear.gather [hbm4b:s23+s2], $0x80, $0x38;
	[tilespmem:$0x10000] =	vst v63  }
0x37: {  	s25 =	sadd.s32 $0x4000, s13;
	s26 =	simm.s32 $0x8100  }
0x38: {  	[tilespmem:s26], [sflag:$0x1] =	stream.linear.gather [hbm4b:s25+s2], $0x80, $0x38;
	[tilespmem:$0x10000] =	vst v63  }
0x39: {  	s28 =	sadd.s32 $0x5000, s13;
	s29 =	simm.s32 $0xA100  }
0x3a: {  	[tilespmem:s29], [sflag:$0x1] =	stream.linear.gather [hbm4b:s28+s2], $0x80, $0x38;
	[tilespmem:$0x10000] =	vst v63  }
0x3b: {  	s30 =	sadd.s32 $0x6000, s13;
	s31 =	simm.s32 $0xC100  }
0x3c: {  	[tilespmem:s31], [sflag:$0x1] =	stream.linear.gather [hbm4b:s30+s2], $0x80, $0x38;
	[tilespmem:$0x10000] =	vst v63  }
0x3d: {  	s15 =	simm.s32 $0xE100;
	s14 =	sadd.s32 $0x7000, s13  }
0x3e: {  	[tilespmem:s15], [sflag:$0x1] =	stream.linear.gather [hbm4b:s14+s2], $0x80, $0x38;
	[tilespmem:$0x10000] =	vst v63  }
0x3f: {  	s16 =	simm.s32 $0x180;
	s17 =	sadd.s32 $0x40, s13  }
0x40: {  	[tilespmem:s16], [sflag:$0x1] =	stream.linear.gather [hbm4b:s17+s2], $0x80, $0x38;
	[tilespmem:$0x10000] =	vst v63  }
0x41: {  	s18 =	sadd.s32 $0x1040, s13;
	s19 =	simm.s32 $0x2180  }
0x42: {  	[tilespmem:s19], [sflag:$0x1] =	stream.linear.gather [hbm4b:s18+s2], $0x80, $0x38;
	[tilespmem:$0x10000] =	vst v63  }
0x43: {  	s20 =	sadd.s32 $0x2040, s13;
	s21 =	simm.s32 $0x4180  }
0x44: {  	[tilespmem:s21], [sflag:$0x1] =	stream.linear.gather [hbm4b:s20+s2], $0x80, $0x38;
	[tilespmem:$0x10000] =	vst v63  }
0x45: {  	s22 =	sadd.s32 $0x3040, s13;
	s23 =	simm.s32 $0x6180  }
0x46: {  	[tilespmem:s23], [sflag:$0x1] =	stream.linear.gather [hbm4b:s22+s2], $0x80, $0x38;
	[tilespmem:$0x10000] =	vst v63  }
0x47: {  	s24 =	sadd.s32 $0x4040, s13;
	s25 =	simm.s32 $0x8180  }
0x48: {  	[tilespmem:s25], [sflag:$0x1] =	stream.linear.gather [hbm4b:s24+s2], $0x80, $0x38;
	[tilespmem:$0x10000] =	vst v63  }
0x49: {  	s26 =	sadd.s32 $0x5040, s13;
	s28 =	simm.s32 $0xA180  }
0x4a: {  	[tilespmem:s28], [sflag:$0x1] =	stream.linear.gather [hbm4b:s26+s2], $0x80, $0x38;
	[tilespmem:$0x10000] =	vst v63  }
0x4b: {  	s29 =	sadd.s32 $0x6040, s13;
	s30 =	simm.s32 $0xC180  }
0x4c: {  	[tilespmem:s30], [sflag:$0x1] =	stream.linear.gather [hbm4b:s29+s2], $0x80, $0x38;
	[tilespmem:$0x10000] =	vst v63  }
0x4d: {  	s31 =	rddreg [dreg:$0x4];
	s16 =	sadd.s32 $0x7040, s13;
	s17 =	simm.s32 $0xE180  }
0x4e: {  	[tilespmem:s17], [sflag:$0x1] =	stream.linear.gather [hbm4b:s16+s2], $0x80, $0x38;
	[tilespmem:$0x10000] =	vst v63  }
0x4f: {  	s13 =	sadd.s32 s10, s31;
	s18 =	simm.s32 $0x200  }
0x50: {  	[tilespmem:s18], [sflag:$0x1] =	stream.linear.gather [hbm4b:s13+s2], $0x80, $0x38;
	[tilespmem:$0x10000] =	vst v63  }
0x51: {  	s19 =	sadd.s32 $0x1000, s13;
	s20 =	simm.s32 $0x2200  }
0x52: {  	[tilespmem:s20], [sflag:$0x1] =	stream.linear.gather [hbm4b:s19+s2], $0x80, $0x38;
	[tilespmem:$0x10000] =	vst v63  }
0x53: {  	s21 =	sadd.s32 $0x2000, s13;
	s22 =	simm.s32 $0x4200  }
0x54: {  	[tilespmem:s22], [sflag:$0x1] =	stream.linear.gather [hbm4b:s21+s2], $0x80, $0x38;
	[tilespmem:$0x10000] =	vst v63  }
0x55: {  	s23 =	sadd.s32 $0x3000, s13;
	s24 =	simm.s32 $0x6200  }
0x56: {  	[tilespmem:s24], [sflag:$0x1] =	stream.linear.gather [hbm4b:s23+s2], $0x80, $0x38;
	[tilespmem:$0x10000] =	vst v63  }
0x57: {  	s25 =	sadd.s32 $0x4000, s13;
	s26 =	simm.s32 $0x8200  }
0x58: {  	[tilespmem:s26], [sflag:$0x1] =	stream.linear.gather [hbm4b:s25+s2], $0x80, $0x38;
	[tilespmem:$0x10000] =	vst v63  }
0x59: {  	s28 =	sadd.s32 $0x5000, s13;
	s29 =	simm.s32 $0xA200  }
0x5a: {  	[tilespmem:s29], [sflag:$0x1] =	stream.linear.gather [hbm4b:s28+s2], $0x80, $0x38;
	[tilespmem:$0x10000] =	vst v63  }
0x5b: {  	s31 =	simm.s32 $0xC200;
	s30 =	sadd.s32 $0x6000, s13  }
0x5c: {  	[tilespmem:s31], [sflag:$0x1] =	stream.linear.gather [hbm4b:s30+s2], $0x80, $0x38;
	[tilespmem:$0x10000] =	vst v63  }
0x5d: {  	s15 =	simm.s32 $0xE200;
	s14 =	sadd.s32 $0x7000, s13  }
0x5e: {  	[tilespmem:s15], [sflag:$0x1] =	stream.linear.gather [hbm4b:s14+s2], $0x80, $0x38;
	[tilespmem:$0x10000] =	vst v63  }
0x5f: {  	s16 =	simm.s32 $0x280;
	s17 =	sadd.s32 $0x40, s13  }
0x60: {  	[tilespmem:s16], [sflag:$0x1] =	stream.linear.gather [hbm4b:s17+s2], $0x80, $0x38;
	[tilespmem:$0x10000] =	vst v63  }
0x61: {  	s18 =	sadd.s32 $0x1040, s13;
	s19 =	simm.s32 $0x2280  }
0x62: {  	[tilespmem:s19], [sflag:$0x1] =	stream.linear.gather [hbm4b:s18+s2], $0x80, $0x38;
	[tilespmem:$0x10000] =	vst v63  }
0x63: {  	s20 =	sadd.s32 $0x2040, s13;
	s21 =	simm.s32 $0x4280  }
0x64: {  	[tilespmem:s21], [sflag:$0x1] =	stream.linear.gather [hbm4b:s20+s2], $0x80, $0x38;
	[tilespmem:$0x10000] =	vst v63  }
0x65: {  	s22 =	sadd.s32 $0x3040, s13;
	s23 =	simm.s32 $0x6280  }
0x66: {  	[tilespmem:s23], [sflag:$0x1] =	stream.linear.gather [hbm4b:s22+s2], $0x80, $0x38;
	[tilespmem:$0x10000] =	vst v63  }
0x67: {  	s24 =	sadd.s32 $0x4040, s13;
	s25 =	simm.s32 $0x8280  }
0x68: {  	[tilespmem:s25], [sflag:$0x1] =	stream.linear.gather [hbm4b:s24+s2], $0x80, $0x38;
	[tilespmem:$0x10000] =	vst v63  }
0x69: {  	s26 =	sadd.s32 $0x5040, s13;
	s28 =	simm.s32 $0xA280  }
0x6a: {  	[tilespmem:s28], [sflag:$0x1] =	stream.linear.gather [hbm4b:s26+s2], $0x80, $0x38;
	[tilespmem:$0x10000] =	vst v63  }
0x6b: {  	s29 =	sadd.s32 $0x6040, s13;
	s30 =	simm.s32 $0xC280  }
0x6c: {  	[tilespmem:s30], [sflag:$0x1] =	stream.linear.gather [hbm4b:s29+s2], $0x80, $0x38;
	[tilespmem:$0x10000] =	vst v63  }
0x6d: {  	s31 =	rddreg [dreg:$0x5];
	s16 =	sadd.s32 $0x7040, s13;
	s17 =	simm.s32 $0xE280  }
0x6e: {  	[tilespmem:s17], [sflag:$0x1] =	stream.linear.gather [hbm4b:s16+s2], $0x80, $0x38;
	[tilespmem:$0x10000] =	vst v63  }
0x6f: {  	s14 =	sadd.s32 s10, s31;
	s18 =	simm.s32 $0x300  }
0x70: {  	[tilespmem:s18], [sflag:$0x1] =	stream.linear.gather [hbm4b:s14+s2], $0x80, $0x38;
	[tilespmem:$0x10000] =	vst v63  }
0x71: {  	s19 =	sadd.s32 $0x1000, s14;
	s20 =	simm.s32 $0x2300  }
0x72: {  	[tilespmem:s20], [sflag:$0x1] =	stream.linear.gather [hbm4b:s19+s2], $0x80, $0x38;
	[tilespmem:$0x10000] =	vst v63  }
0x73: {  	s21 =	sadd.s32 $0x2000, s14;
	s22 =	simm.s32 $0x4300  }
0x74: {  	[tilespmem:s22], [sflag:$0x1] =	stream.linear.gather [hbm4b:s21+s2], $0x80, $0x38;
	[tilespmem:$0x10000] =	vst v63  }
0x75: {  	s23 =	sadd.s32 $0x3000, s14;
	s24 =	simm.s32 $0x6300  }
0x76: {  	[tilespmem:s24], [sflag:$0x1] =	stream.linear.gather [hbm4b:s23+s2], $0x80, $0x38;
	[tilespmem:$0x10000] =	vst v63  }
0x77: {  	s25 =	sadd.s32 $0x4000, s14;
	s26 =	simm.s32 $0x8300  }
0x78: {  	[tilespmem:s26], [sflag:$0x1] =	stream.linear.gather [hbm4b:s25+s2], $0x80, $0x38;
	[tilespmem:$0x10000] =	vst v63  }
0x79: {  	s28 =	sadd.s32 $0x5000, s14;
	s29 =	simm.s32 $0xA300  }
0x7a: {  	[tilespmem:s29], [sflag:$0x1] =	stream.linear.gather [hbm4b:s28+s2], $0x80, $0x38;
	[tilespmem:$0x10000] =	vst v63  }
0x7b: {  	s31 =	simm.s32 $0xC300;
	s15 =	simm.s32 $0xE300;
	s30 =	sadd.s32 $0x6000, s14  }
0x7c: {  	[tilespmem:s31], [sflag:$0x1] =	stream.linear.gather [hbm4b:s30+s2], $0x80, $0x38;
	[tilespmem:$0x10000] =	vst v63  }
0x7d: {  	s13 =	sadd.s32 $0x7000, s14;
	s16 =	simm.s32 $0x380;
	s17 =	sadd.s32 $0x40, s14  }
0x7e: {  	[tilespmem:s15], [sflag:$0x1] =	stream.linear.gather [hbm4b:s13+s2], $0x80, $0x38;
	[tilespmem:$0x10000] =	vst v63  }
0x7f: {  	s18 =	sadd.s32 $0x1040, s14;
	s19 =	simm.s32 $0x2380;
	s20 =	sadd.s32 $0x2040, s14  }
0x80: {  	[tilespmem:s16], [sflag:$0x1] =	stream.linear.gather [hbm4b:s17+s2], $0x80, $0x38;
	[tilespmem:$0x10000] =	vst v63  }
0x81: {  	s21 =	simm.s32 $0x4380;
	s22 =	sadd.s32 $0x3040, s14;
	s24 =	sshll.u32 s11, $0x3  }
0x82: {  	[tilespmem:s19], [sflag:$0x1] =	stream.linear.gather [hbm4b:s18+s2], $0x80, $0x38;
	[tilespmem:$0x10000] =	vst v63  }
0x83: {  	s23 =	simm.s32 $0x6380;
	s12 =	sadd.s32 s5, s24;
	s25 =	sadd.s32 $0x4040, s14  }
0x84: {  	[tilespmem:s21], [sflag:$0x1] =	stream.linear.gather [hbm4b:s20+s2], $0x80, $0x38;
	[tilespmem:$0x10000] =	vst v63  }
0x85: {  	s26 =	simm.s32 $0x8380;
	s28 =	sadd.s32 $0x5040, s14;
	s29 =	simm.s32 $0xA380  }
0x86: {  	[tilespmem:s23], [sflag:$0x1] =	stream.linear.gather [hbm4b:s22+s2], $0x80, $0x38;
	[tilespmem:$0x10000] =	vst v63  }
0x87: {  	s30 =	sadd.s32 $0x6040, s14;
	s31 =	simm.s32 $0xC380;
	s13 =	simm.s32 $0x0  }
0x88: {  	[tilespmem:s26], [sflag:$0x1] =	stream.linear.gather [hbm4b:s25+s2], $0x80, $0x38;
	[tilespmem:$0x10000] =	vst v63  }
0x89: {  	s15 =	sadd.s32 $0x200, s10;
	s17 =	simm.s32 $0xE380;
	s16 =	simm.s32 $0x8  }
0x8a: {  	[tilespmem:s29], [sflag:$0x1] =	stream.linear.gather [hbm4b:s28+s2], $0x80, $0x38;
	[tilespmem:$0x10000] =	vst v63  }
0x8b: {  	s19 =	rddreg [dreg:$0x2];
	s18 =	sadd.s32 $0x7040, s14;
	s14 =	simm.s32 $0xE780  }
0x8c: {  	[tilespmem:s31], [sflag:$0x1] =	stream.linear.gather [hbm4b:s30+s2], $0x80, $0x38;
	[tilespmem:$0x10000] =	vst v63  }
.LBB2_3:
0x8d: {  	[tilespmem:s17], [sflag:$0x1] =	stream.linear.gather [hbm4b:s18+s2], $0x80, $0x38;
	[tilespmem:$0x10000] =	vst v63  }
0x8e: {  	s23 =	sadd.s32 $0xFFFF1C80, s14;
	s18 =	sadd.s32 s15, s19  }
0x8f: {  	[tilespmem:s23], [sflag:$0x1] =	stream.linear.gather [hbm4b:s18+s2], $0x80, $0x38;
	[tilespmem:$0x10000] =	vst v63  }
0x90: {  	s25 =	sadd.s32 $0xFFFF3C80, s14;
	s24 =	sadd.s32 $0x1000, s18  }
0x91: {  	[tilespmem:s25], [sflag:$0x1] =	stream.linear.gather [hbm4b:s24+s2], $0x80, $0x38;
	[tilespmem:$0x10000] =	vst v63  }
0x92: {  	s20 =	sadd.s32 $0xFFFF5C80, s14;
	s26 =	sadd.s32 $0x2000, s18  }
0x93: {  	[tilespmem:s20], [sflag:$0x1] =	stream.linear.gather [hbm4b:s26+s2], $0x80, $0x38;
	[tilespmem:$0x10000] =	vst v63  }
0x94: {  	s29 =	sadd.s32 $0xFFFF7C80, s14;
	s28 =	sadd.s32 $0x3000, s18  }
0x95: {  	[tilespmem:s29], [sflag:$0x1] =	stream.linear.gather [hbm4b:s28+s2], $0x80, $0x38;
	[tilespmem:$0x10000] =	vst v63  }
0x96: {  	s31 =	sadd.s32 $0xFFFF9C80, s14;
	s30 =	sadd.s32 $0x4000, s18  }
0x97: {  	[tilespmem:s31], [sflag:$0x1] =	stream.linear.gather [hbm4b:s30+s2], $0x80, $0x38;
	[tilespmem:$0x10000] =	vst v63  }
0x98: {  	s22 =	sadd.s32 $0xFFFFBC80, s14;
	s21 =	sadd.s32 $0x5000, s18  }
0x99: {  	[tilespmem:s22], [sflag:$0x1] =	stream.linear.gather [hbm4b:s21+s2], $0x80, $0x38;
	[tilespmem:$0x10000] =	vst v63  }
0x9a: {  	s23 =	sadd.s32 $0x6000, s18;
	s24 =	sadd.s32 $0xFFFFDC80, s14  }
0x9b: {  	[tilespmem:s24], [sflag:$0x1] =	stream.linear.gather [hbm4b:s23+s2], $0x80, $0x38;
	[tilespmem:$0x10000] =	vst v63  }
0x9c: {  	s25 =	sadd.s32 $0x7000, s18;
	s26 =	sadd.s32 $0xFFFFFC80, s14  }
0x9d: {  	[tilespmem:s26], [sflag:$0x1] =	stream.linear.gather [hbm4b:s25+s2], $0x80, $0x38;
	[tilespmem:$0x10000] =	vst v63  }
0x9e: {  	s28 =	sadd.s32 $0xFFFF1D00, s14;
	s29 =	sadd.s32 $0x40, s18  }
0x9f: {  	[tilespmem:s28], [sflag:$0x1] =	stream.linear.gather [hbm4b:s29+s2], $0x80, $0x38;
	[tilespmem:$0x10000] =	vst v63  }
0xa0: {  	s30 =	sadd.s32 $0x1040, s18;
	s31 =	sadd.s32 $0xFFFF3D00, s14  }
0xa1: {  	[tilespmem:s31], [sflag:$0x1] =	stream.linear.gather [hbm4b:s30+s2], $0x80, $0x38;
	[tilespmem:$0x10000] =	vst v63  }
0xa2: {  	s21 =	sadd.s32 $0x2040, s18;
	s22 =	sadd.s32 $0xFFFF5D00, s14  }
0xa3: {  	[tilespmem:s22], [sflag:$0x1] =	stream.linear.gather [hbm4b:s21+s2], $0x80, $0x38;
	[tilespmem:$0x10000] =	vst v63  }
0xa4: {  	s23 =	sadd.s32 $0x3040, s18;
	s24 =	sadd.s32 $0xFFFF7D00, s14  }
0xa5: {  	[tilespmem:s24], [sflag:$0x1] =	stream.linear.gather [hbm4b:s23+s2], $0x80, $0x38;
	[tilespmem:$0x10000] =	vst v63  }
0xa6: {  	s25 =	sadd.s32 $0x4040, s18;
	s26 =	sadd.s32 $0xFFFF9D00, s14  }
0xa7: {  	[tilespmem:s26], [sflag:$0x1] =	stream.linear.gather [hbm4b:s25+s2], $0x80, $0x38;
	[tilespmem:$0x10000] =	vst v63  }
0xa8: {  	s28 =	sadd.s32 $0x5040, s18;
	s29 =	sadd.s32 $0xFFFFBD00, s14  }
0xa9: {  	[tilespmem:s29], [sflag:$0x1] =	stream.linear.gather [hbm4b:s28+s2], $0x80, $0x38;
	[tilespmem:$0x10000] =	vst v63  }
0xaa: {  	s30 =	sadd.s32 $0x6040, s18;
	s31 =	sadd.s32 $0xFFFFDD00, s14  }
0xab: {  	[tilespmem:s31], [sflag:$0x1] =	stream.linear.gather [hbm4b:s30+s2], $0x80, $0x38;
	[tilespmem:$0x10000] =	vst v63  }
0xac: {  	s20 =	sadd.s32 $0xFFFFFD00, s14;
	s18 =	sadd.s32 $0x7040, s18;
	s21 =	rddreg [dreg:$0x3]  }
0xad: {  	[tilespmem:s20], [sflag:$0x1] =	stream.linear.gather [hbm4b:s18+s2], $0x80, $0x38;
	[tilespmem:$0x10000] =	vst v63  }
0xae: {  	s22 =	sadd.s32 $0xFFFF1D80, s14;
	s18 =	sadd.s32 s15, s21  }
0xaf: {  	[tilespmem:s22], [sflag:$0x1] =	stream.linear.gather [hbm4b:s18+s2], $0x80, $0x38;
	[tilespmem:$0x10000] =	vst v63  }
0xb0: {  	s24 =	sadd.s32 $0xFFFF3D80, s14;
	s23 =	sadd.s32 $0x1000, s18  }
0xb1: {  	[tilespmem:s24], [sflag:$0x1] =	stream.linear.gather [hbm4b:s23+s2], $0x80, $0x38;
	[tilespmem:$0x10000] =	vst v63  }
0xb2: {  	s26 =	sadd.s32 $0xFFFF5D80, s14;
	s25 =	sadd.s32 $0x2000, s18  }
0xb3: {  	[tilespmem:s26], [sflag:$0x1] =	stream.linear.gather [hbm4b:s25+s2], $0x80, $0x38;
	[tilespmem:$0x10000] =	vst v63  }
0xb4: {  	s29 =	sadd.s32 $0xFFFF7D80, s14;
	s28 =	sadd.s32 $0x3000, s18  }
0xb5: {  	[tilespmem:s29], [sflag:$0x1] =	stream.linear.gather [hbm4b:s28+s2], $0x80, $0x38;
	[tilespmem:$0x10000] =	vst v63  }
0xb6: {  	s31 =	sadd.s32 $0xFFFF9D80, s14;
	s30 =	sadd.s32 $0x4000, s18  }
0xb7: {  	[tilespmem:s31], [sflag:$0x1] =	stream.linear.gather [hbm4b:s30+s2], $0x80, $0x38;
	[tilespmem:$0x10000] =	vst v63  }
0xb8: {  	s21 =	sadd.s32 $0x5000, s18;
	s22 =	sadd.s32 $0xFFFFBD80, s14  }
0xb9: {  	[tilespmem:s22], [sflag:$0x1] =	stream.linear.gather [hbm4b:s21+s2], $0x80, $0x38;
	[tilespmem:$0x10000] =	vst v63  }
0xba: {  	s23 =	sadd.s32 $0x6000, s18;
	s24 =	sadd.s32 $0xFFFFDD80, s14  }
0xbb: {  	[tilespmem:s24], [sflag:$0x1] =	stream.linear.gather [hbm4b:s23+s2], $0x80, $0x38;
	[tilespmem:$0x10000] =	vst v63  }
0xbc: {  	s25 =	sadd.s32 $0x7000, s18;
	s26 =	sadd.s32 $0xFFFFFD80, s14  }
0xbd: {  	[tilespmem:s26], [sflag:$0x1] =	stream.linear.gather [hbm4b:s25+s2], $0x80, $0x38;
	[tilespmem:$0x10000] =	vst v63  }
0xbe: {  	s28 =	sadd.s32 $0xFFFF1E00, s14;
	s29 =	sadd.s32 $0x40, s18  }
0xbf: {  	[tilespmem:s28], [sflag:$0x1] =	stream.linear.gather [hbm4b:s29+s2], $0x80, $0x38;
	[tilespmem:$0x10000] =	vst v63  }
0xc0: {  	s30 =	sadd.s32 $0x1040, s18;
	s31 =	sadd.s32 $0xFFFF3E00, s14  }
0xc1: {  	[tilespmem:s31], [sflag:$0x1] =	stream.linear.gather [hbm4b:s30+s2], $0x80, $0x38;
	[tilespmem:$0x10000] =	vst v63  }
0xc2: {  	s20 =	sadd.s32 $0x2040, s18;
	s21 =	sadd.s32 $0xFFFF5E00, s14  }
0xc3: {  	[tilespmem:s21], [sflag:$0x1] =	stream.linear.gather [hbm4b:s20+s2], $0x80, $0x38;
	[tilespmem:$0x10000] =	vst v63  }
0xc4: {  	s22 =	sadd.s32 $0x3040, s18;
	s23 =	sadd.s32 $0xFFFF7E00, s14  }
0xc5: {  	[tilespmem:s23], [sflag:$0x1] =	stream.linear.gather [hbm4b:s22+s2], $0x80, $0x38;
	[tilespmem:$0x10000] =	vst v63  }
0xc6: {  	s24 =	sadd.s32 $0x4040, s18;
	s25 =	sadd.s32 $0xFFFF9E00, s14  }
0xc7: {  	[tilespmem:s25], [sflag:$0x1] =	stream.linear.gather [hbm4b:s24+s2], $0x80, $0x38;
	[tilespmem:$0x10000] =	vst v63  }
0xc8: {  	s26 =	sadd.s32 $0x5040, s18;
	s28 =	sadd.s32 $0xFFFFBE00, s14  }
0xc9: {  	[tilespmem:s28], [sflag:$0x1] =	stream.linear.gather [hbm4b:s26+s2], $0x80, $0x38;
	[tilespmem:$0x10000] =	vst v63  }
0xca: {  	s29 =	sadd.s32 $0x6040, s18;
	s30 =	sadd.s32 $0xFFFFDE00, s14  }
0xcb: {  	[tilespmem:s30], [sflag:$0x1] =	stream.linear.gather [hbm4b:s29+s2], $0x80, $0x38;
	[tilespmem:$0x10000] =	vst v63  }
0xcc: {  	s18 =	sadd.s32 $0x7040, s18;
	s31 =	rddreg [dreg:$0x4];
	s20 =	sadd.s32 $0xFFFFFE00, s14  }
0xcd: {  	[tilespmem:s20], [sflag:$0x1] =	stream.linear.gather [hbm4b:s18+s2], $0x80, $0x38;
	[tilespmem:$0x10000] =	vst v63  }
0xce: {  	s22 =	sadd.s32 $0xFFFF1E80, s14;
	s18 =	sadd.s32 s15, s31  }
0xcf: {  	[tilespmem:s22], [sflag:$0x1] =	stream.linear.gather [hbm4b:s18+s2], $0x80, $0x38;
	[tilespmem:$0x10000] =	vst v63  }
0xd0: {  	s24 =	sadd.s32 $0xFFFF3E80, s14;
	s23 =	sadd.s32 $0x1000, s18  }
0xd1: {  	[tilespmem:s24], [sflag:$0x1] =	stream.linear.gather [hbm4b:s23+s2], $0x80, $0x38;
	[tilespmem:$0x10000] =	vst v63  }
0xd2: {  	s26 =	sadd.s32 $0xFFFF5E80, s14;
	s25 =	sadd.s32 $0x2000, s18  }
0xd3: {  	[tilespmem:s26], [sflag:$0x1] =	stream.linear.gather [hbm4b:s25+s2], $0x80, $0x38;
	[tilespmem:$0x10000] =	vst v63  }
0xd4: {  	s29 =	sadd.s32 $0xFFFF7E80, s14;
	s28 =	sadd.s32 $0x3000, s18  }
0xd5: {  	[tilespmem:s29], [sflag:$0x1] =	stream.linear.gather [hbm4b:s28+s2], $0x80, $0x38;
	[tilespmem:$0x10000] =	vst v63  }
0xd6: {  	s31 =	sadd.s32 $0xFFFF9E80, s14;
	s30 =	sadd.s32 $0x4000, s18  }
0xd7: {  	[tilespmem:s31], [sflag:$0x1] =	stream.linear.gather [hbm4b:s30+s2], $0x80, $0x38;
	[tilespmem:$0x10000] =	vst v63  }
0xd8: {  	s21 =	sadd.s32 $0x5000, s18;
	s22 =	sadd.s32 $0xFFFFBE80, s14  }
0xd9: {  	[tilespmem:s22], [sflag:$0x1] =	stream.linear.gather [hbm4b:s21+s2], $0x80, $0x38;
	[tilespmem:$0x10000] =	vst v63  }
0xda: {  	s23 =	sadd.s32 $0x6000, s18;
	s24 =	sadd.s32 $0xFFFFDE80, s14  }
0xdb: {  	[tilespmem:s24], [sflag:$0x1] =	stream.linear.gather [hbm4b:s23+s2], $0x80, $0x38;
	[tilespmem:$0x10000] =	vst v63  }
0xdc: {  	s25 =	sadd.s32 $0x7000, s18;
	s26 =	sadd.s32 $0xFFFFFE80, s14  }
0xdd: {  	[tilespmem:s26], [sflag:$0x1] =	stream.linear.gather [hbm4b:s25+s2], $0x80, $0x38;
	[tilespmem:$0x10000] =	vst v63  }
0xde: {  	s28 =	sadd.s32 $0xFFFF1F00, s14;
	s29 =	sadd.s32 $0x40, s18  }
0xdf: {  	[tilespmem:s28], [sflag:$0x1] =	stream.linear.gather [hbm4b:s29+s2], $0x80, $0x38;
	[tilespmem:$0x10000] =	vst v63  }
0xe0: {  	s30 =	sadd.s32 $0x1040, s18;
	s31 =	sadd.s32 $0xFFFF3F00, s14  }
0xe1: {  	[tilespmem:s31], [sflag:$0x1] =	stream.linear.gather [hbm4b:s30+s2], $0x80, $0x38;
	[tilespmem:$0x10000] =	vst v63  }
0xe2: {  	s20 =	sadd.s32 $0x2040, s18;
	s21 =	sadd.s32 $0xFFFF5F00, s14  }
0xe3: {  	[tilespmem:s21], [sflag:$0x1] =	stream.linear.gather [hbm4b:s20+s2], $0x80, $0x38;
	[tilespmem:$0x10000] =	vst v63  }
0xe4: {  	s22 =	sadd.s32 $0x3040, s18;
	s23 =	sadd.s32 $0xFFFF7F00, s14  }
0xe5: {  	[tilespmem:s23], [sflag:$0x1] =	stream.linear.gather [hbm4b:s22+s2], $0x80, $0x38;
	[tilespmem:$0x10000] =	vst v63  }
0xe6: {  	s24 =	sadd.s32 $0x4040, s18;
	s25 =	sadd.s32 $0xFFFF9F00, s14  }
0xe7: {  	[tilespmem:s25], [sflag:$0x1] =	stream.linear.gather [hbm4b:s24+s2], $0x80, $0x38;
	[tilespmem:$0x10000] =	vst v63  }
0xe8: {  	s26 =	sadd.s32 $0x5040, s18;
	s28 =	sadd.s32 $0xFFFFBF00, s14  }
0xe9: {  	[tilespmem:s28], [sflag:$0x1] =	stream.linear.gather [hbm4b:s26+s2], $0x80, $0x38;
	[tilespmem:$0x10000] =	vst v63  }
0xea: {  	s29 =	sadd.s32 $0x6040, s18;
	s30 =	sadd.s32 $0xFFFFDF00, s14  }
0xeb: {  	[tilespmem:s30], [sflag:$0x1] =	stream.linear.gather [hbm4b:s29+s2], $0x80, $0x38;
	[tilespmem:$0x10000] =	vst v63  }
0xec: {  	s18 =	sadd.s32 $0x7040, s18;
	s31 =	rddreg [dreg:$0x5];
	s20 =	sadd.s32 $0xFFFFFF00, s14  }
0xed: {  	[tilespmem:s20], [sflag:$0x1] =	stream.linear.gather [hbm4b:s18+s2], $0x80, $0x38;
	[tilespmem:$0x10000] =	vst v63  }
0xee: {  	s22 =	sadd.s32 $0xFFFF1F80, s14;
	s18 =	sadd.s32 s15, s31  }
0xef: {  	[tilespmem:s22], [sflag:$0x1] =	stream.linear.gather [hbm4b:s18+s2], $0x80, $0x38;
	[tilespmem:$0x10000] =	vst v63  }
0xf0: {  	s24 =	sadd.s32 $0xFFFF3F80, s14;
	s23 =	sadd.s32 $0x1000, s18  }
0xf1: {  	[tilespmem:s24], [sflag:$0x1] =	stream.linear.gather [hbm4b:s23+s2], $0x80, $0x38;
	[tilespmem:$0x10000] =	vst v63  }
0xf2: {  	s26 =	sadd.s32 $0xFFFF5F80, s14;
	s25 =	sadd.s32 $0x2000, s18  }
0xf3: {  	[tilespmem:s26], [sflag:$0x1] =	stream.linear.gather [hbm4b:s25+s2], $0x80, $0x38;
	[tilespmem:$0x10000] =	vst v63  }
0xf4: {  	s29 =	sadd.s32 $0xFFFF7F80, s14;
	s28 =	sadd.s32 $0x3000, s18  }
0xf5: {  	[tilespmem:s29], [sflag:$0x1] =	stream.linear.gather [hbm4b:s28+s2], $0x80, $0x38;
	[tilespmem:$0x10000] =	vst v63  }
0xf6: {  	s31 =	sadd.s32 $0xFFFF9F80, s14;
	s30 =	sadd.s32 $0x4000, s18  }
0xf7: {  	[tilespmem:s31], [sflag:$0x1] =	stream.linear.gather [hbm4b:s30+s2], $0x80, $0x38;
	[tilespmem:$0x10000] =	vst v63  }
0xf8: {  	s21 =	sadd.s32 $0x5000, s18;
	s22 =	sadd.s32 $0xFFFFBF80, s14  }
0xf9: {  	[tilespmem:s22], [sflag:$0x1] =	stream.linear.gather [hbm4b:s21+s2], $0x80, $0x38;
	[tilespmem:$0x10000] =	vst v63  }
0xfa: {  	s23 =	sadd.s32 $0x6000, s18;
	s24 =	sadd.s32 $0xFFFFDF80, s14  }
0xfb: {  	[tilespmem:s24], [sflag:$0x1] =	stream.linear.gather [hbm4b:s23+s2], $0x80, $0x38;
	[tilespmem:$0x10000] =	vst v63  }
0xfc: {  	s25 =	sadd.s32 $0x7000, s18;
	s26 =	sadd.s32 $0xFFFFFF80, s14  }
0xfd: {  	[tilespmem:s26], [sflag:$0x1] =	stream.linear.gather [hbm4b:s25+s2], $0x80, $0x38;
	[tilespmem:$0x10000] =	vst v63  }
0xfe: {  	s28 =	sadd.s32 $0xFFFF2000, s14;
	s29 =	sadd.s32 $0x40, s18  }
0xff: {  	[tilespmem:s28], [sflag:$0x1] =	stream.linear.gather [hbm4b:s29+s2], $0x80, $0x38;
	[tilespmem:$0x10000] =	vst v63  }
0x100: {  	s30 =	sadd.s32 $0x1040, s18;
	s31 =	sadd.s32 $0xFFFF4000, s14  }
0x101: {  	[tilespmem:s31], [sflag:$0x1] =	stream.linear.gather [hbm4b:s30+s2], $0x80, $0x38;
	[tilespmem:$0x10000] =	vst v63  }
0x102: {  	s16 =	sadd.s32 $0x8, s16;
	s21 =	sadd.s32 $0x2040, s18;
	s22 =	sadd.s32 $0xFFFF6000, s14  }
0x103: {  	[tilespmem:s22], [sflag:$0x1] =	stream.linear.gather [hbm4b:s21+s2], $0x80, $0x38;
	[tilespmem:$0x10000] =	vst v63  }
0x104: {  	s17 =	smov.u32 s14;
	s23 =	sadd.s32 $0x3040, s18;
	s24 =	sadd.s32 $0xFFFF8000, s14  }
0x105: {  	[tilespmem:s24], [sflag:$0x1] =	stream.linear.gather [hbm4b:s23+s2], $0x80, $0x38;
	[tilespmem:$0x10000] =	vst v63  }
0x106: {  	p0 =	slt.u32 s16, $0x38;
	s25 =	sadd.s32 $0x4040, s18;
	s26 =	sadd.s32 $0xFFFFA000, s14  }
0x107: {  	[tilespmem:s26], [sflag:$0x1] =	stream.linear.gather [hbm4b:s25+s2], $0x80, $0x38;
	[tilespmem:$0x10000] =	vst v63  }
.Ltmp0:
0x108: {  	s19 =	rddreg [dreg:$0x2];
	s15 =	sadd.s32 $0x200, s15;
	(pc) =	sbr.rel @p0 .LBB2_3-.Ltmp0, $4  }
0x109: {  	s28 =	sadd.s32 $0x5040, s18;
	s29 =	sadd.s32 $0xFFFFC000, s14;
	s30 =	sadd.s32 $0x6040, s18  }
0x10a: {  	[tilespmem:s29], [sflag:$0x1] =	stream.linear.gather [hbm4b:s28+s2], $0x80, $0x38;
	[tilespmem:$0x10000] =	vst v63  }
0x10b: {  	s31 =	sadd.s32 $0xFFFFE000, s14;
	s18 =	sadd.s32 $0x7040, s18;
	s14 =	sadd.s32 $0x400, s14  }
0x10c: {  	[tilespmem:s31], [sflag:$0x1] =	stream.linear.gather [hbm4b:s30+s2], $0x80, $0x38;
	[tilespmem:$0x10000] =	vst v63  }
0x10d: {  	[tilespmem:s17], [sflag:$0x1] =	stream.linear.gather [hbm4b:s18+s2], $0x80, $0x38;
	[tilespmem:$0x10000] =	vst v63  }
0x10e: {  	s16 =	sadd.s32 $0xFFFF1C80, s14;
	s17 =	sadd.s32 s15, s19  }
0x10f: {  	[tilespmem:s16], [sflag:$0x1] =	stream.linear.gather [hbm4b:s17+s2], $0x80, $0x38;
	[tilespmem:$0x10000] =	vst v63  }
0x110: {  	s20 =	sadd.s32 $0xFFFF3C80, s14;
	s19 =	sadd.s32 $0x1000, s17  }
0x111: {  	[tilespmem:s20], [sflag:$0x1] =	stream.linear.gather [hbm4b:s19+s2], $0x80, $0x38;
	[tilespmem:$0x10000] =	vst v63  }
0x112: {  	s22 =	sadd.s32 $0xFFFF5C80, s14;
	s21 =	sadd.s32 $0x2000, s17  }
0x113: {  	[tilespmem:s22], [sflag:$0x1] =	stream.linear.gather [hbm4b:s21+s2], $0x80, $0x38;
	[tilespmem:$0x10000] =	vst v63  }
0x114: {  	s24 =	sadd.s32 $0xFFFF7C80, s14;
	s23 =	sadd.s32 $0x3000, s17  }
0x115: {  	[tilespmem:s24], [sflag:$0x1] =	stream.linear.gather [hbm4b:s23+s2], $0x80, $0x38;
	[tilespmem:$0x10000] =	vst v63  }
0x116: {  	s26 =	sadd.s32 $0xFFFF9C80, s14;
	s25 =	sadd.s32 $0x4000, s17  }
0x117: {  	[tilespmem:s26], [sflag:$0x1] =	stream.linear.gather [hbm4b:s25+s2], $0x80, $0x38;
	[tilespmem:$0x10000] =	vst v63  }
0x118: {  	s29 =	sadd.s32 $0xFFFFBC80, s14;
	s28 =	sadd.s32 $0x5000, s17  }
0x119: {  	[tilespmem:s29], [sflag:$0x1] =	stream.linear.gather [hbm4b:s28+s2], $0x80, $0x38;
	[tilespmem:$0x10000] =	vst v63  }
0x11a: {  	s31 =	sadd.s32 $0xFFFFDC80, s14;
	s30 =	sadd.s32 $0x6000, s17  }
0x11b: {  	[tilespmem:s31], [sflag:$0x1] =	stream.linear.gather [hbm4b:s30+s2], $0x80, $0x38;
	[tilespmem:$0x10000] =	vst v63  }
0x11c: {  	s19 =	sadd.s32 $0x7000, s17;
	s20 =	sadd.s32 $0xFFFFFC80, s14  }
0x11d: {  	[tilespmem:s20], [sflag:$0x1] =	stream.linear.gather [hbm4b:s19+s2], $0x80, $0x38;
	[tilespmem:$0x10000] =	vst v63  }
0x11e: {  	s21 =	sadd.s32 $0xFFFF1D00, s14;
	s22 =	sadd.s32 $0x40, s17  }
0x11f: {  	[tilespmem:s21], [sflag:$0x1] =	stream.linear.gather [hbm4b:s22+s2], $0x80, $0x38;
	[tilespmem:$0x10000] =	vst v63  }
0x120: {  	s23 =	sadd.s32 $0x1040, s17;
	s24 =	sadd.s32 $0xFFFF3D00, s14  }
0x121: {  	[tilespmem:s24], [sflag:$0x1] =	stream.linear.gather [hbm4b:s23+s2], $0x80, $0x38;
	[tilespmem:$0x10000] =	vst v63  }
0x122: {  	s25 =	sadd.s32 $0x2040, s17;
	s26 =	sadd.s32 $0xFFFF5D00, s14  }
0x123: {  	[tilespmem:s26], [sflag:$0x1] =	stream.linear.gather [hbm4b:s25+s2], $0x80, $0x38;
	[tilespmem:$0x10000] =	vst v63  }
0x124: {  	s28 =	sadd.s32 $0x3040, s17;
	s29 =	sadd.s32 $0xFFFF7D00, s14  }
0x125: {  	[tilespmem:s29], [sflag:$0x1] =	stream.linear.gather [hbm4b:s28+s2], $0x80, $0x38;
	[tilespmem:$0x10000] =	vst v63  }
0x126: {  	s30 =	sadd.s32 $0x4040, s17;
	s31 =	sadd.s32 $0xFFFF9D00, s14  }
0x127: {  	[tilespmem:s31], [sflag:$0x1] =	stream.linear.gather [hbm4b:s30+s2], $0x80, $0x38;
	[tilespmem:$0x10000] =	vst v63  }
0x128: {  	s19 =	sadd.s32 $0x5040, s17;
	s20 =	sadd.s32 $0xFFFFBD00, s14  }
0x129: {  	[tilespmem:s20], [sflag:$0x1] =	stream.linear.gather [hbm4b:s19+s2], $0x80, $0x38;
	[tilespmem:$0x10000] =	vst v63  }
0x12a: {  	s21 =	sadd.s32 $0x6040, s17;
	s22 =	sadd.s32 $0xFFFFDD00, s14  }
0x12b: {  	[tilespmem:s22], [sflag:$0x1] =	stream.linear.gather [hbm4b:s21+s2], $0x80, $0x38;
	[tilespmem:$0x10000] =	vst v63  }
0x12c: {  	s23 =	rddreg [dreg:$0x3];
	s24 =	sadd.s32 $0x7040, s17;
	s25 =	sadd.s32 $0xFFFFFD00, s14  }
0x12d: {  	[tilespmem:s25], [sflag:$0x1] =	stream.linear.gather [hbm4b:s24+s2], $0x80, $0x38;
	[tilespmem:$0x10000] =	vst v63  }
0x12e: {  	s17 =	sadd.s32 s15, s23;
	s26 =	sadd.s32 $0xFFFF1D80, s14  }
0x12f: {  	[tilespmem:s26], [sflag:$0x1] =	stream.linear.gather [hbm4b:s17+s2], $0x80, $0x38;
	[tilespmem:$0x10000] =	vst v63  }
0x130: {  	s28 =	sadd.s32 $0x1000, s17;
	s29 =	sadd.s32 $0xFFFF3D80, s14  }
0x131: {  	[tilespmem:s29], [sflag:$0x1] =	stream.linear.gather [hbm4b:s28+s2], $0x80, $0x38;
	[tilespmem:$0x10000] =	vst v63  }
0x132: {  	s30 =	sadd.s32 $0x2000, s17;
	s31 =	sadd.s32 $0xFFFF5D80, s14  }
0x133: {  	[tilespmem:s31], [sflag:$0x1] =	stream.linear.gather [hbm4b:s30+s2], $0x80, $0x38;
	[tilespmem:$0x10000] =	vst v63  }
0x134: {  	s19 =	sadd.s32 $0x3000, s17;
	s20 =	sadd.s32 $0xFFFF7D80, s14  }
0x135: {  	[tilespmem:s20], [sflag:$0x1] =	stream.linear.gather [hbm4b:s19+s2], $0x80, $0x38;
	[tilespmem:$0x10000] =	vst v63  }
0x136: {  	s21 =	sadd.s32 $0x4000, s17;
	s22 =	sadd.s32 $0xFFFF9D80, s14  }
0x137: {  	[tilespmem:s22], [sflag:$0x1] =	stream.linear.gather [hbm4b:s21+s2], $0x80, $0x38;
	[tilespmem:$0x10000] =	vst v63  }
0x138: {  	s23 =	sadd.s32 $0x5000, s17;
	s24 =	sadd.s32 $0xFFFFBD80, s14  }
0x139: {  	[tilespmem:s24], [sflag:$0x1] =	stream.linear.gather [hbm4b:s23+s2], $0x80, $0x38;
	[tilespmem:$0x10000] =	vst v63  }
0x13a: {  	s25 =	sadd.s32 $0x6000, s17;
	s26 =	sadd.s32 $0xFFFFDD80, s14  }
0x13b: {  	[tilespmem:s26], [sflag:$0x1] =	stream.linear.gather [hbm4b:s25+s2], $0x80, $0x38;
	[tilespmem:$0x10000] =	vst v63  }
0x13c: {  	s28 =	sadd.s32 $0x7000, s17;
	s29 =	sadd.s32 $0xFFFFFD80, s14  }
0x13d: {  	[tilespmem:s29], [sflag:$0x1] =	stream.linear.gather [hbm4b:s28+s2], $0x80, $0x38;
	[tilespmem:$0x10000] =	vst v63  }
0x13e: {  	s30 =	sadd.s32 $0xFFFF1E00, s14;
	s31 =	sadd.s32 $0x40, s17  }
0x13f: {  	[tilespmem:s30], [sflag:$0x1] =	stream.linear.gather [hbm4b:s31+s2], $0x80, $0x38;
	[tilespmem:$0x10000] =	vst v63  }
0x140: {  	s18 =	sadd.s32 $0x1040, s17;
	s19 =	sadd.s32 $0xFFFF3E00, s14  }
0x141: {  	[tilespmem:s19], [sflag:$0x1] =	stream.linear.gather [hbm4b:s18+s2], $0x80, $0x38;
	[tilespmem:$0x10000] =	vst v63  }
0x142: {  	s20 =	sadd.s32 $0x2040, s17;
	s21 =	sadd.s32 $0xFFFF5E00, s14  }
0x143: {  	[tilespmem:s21], [sflag:$0x1] =	stream.linear.gather [hbm4b:s20+s2], $0x80, $0x38;
	[tilespmem:$0x10000] =	vst v63  }
0x144: {  	s22 =	sadd.s32 $0x3040, s17;
	s23 =	sadd.s32 $0xFFFF7E00, s14  }
0x145: {  	[tilespmem:s23], [sflag:$0x1] =	stream.linear.gather [hbm4b:s22+s2], $0x80, $0x38;
	[tilespmem:$0x10000] =	vst v63  }
0x146: {  	s24 =	sadd.s32 $0x4040, s17;
	s25 =	sadd.s32 $0xFFFF9E00, s14  }
0x147: {  	[tilespmem:s25], [sflag:$0x1] =	stream.linear.gather [hbm4b:s24+s2], $0x80, $0x38;
	[tilespmem:$0x10000] =	vst v63  }
0x148: {  	s26 =	sadd.s32 $0x5040, s17;
	s28 =	sadd.s32 $0xFFFFBE00, s14  }
0x149: {  	[tilespmem:s28], [sflag:$0x1] =	stream.linear.gather [hbm4b:s26+s2], $0x80, $0x38;
	[tilespmem:$0x10000] =	vst v63  }
0x14a: {  	s29 =	sadd.s32 $0x6040, s17;
	s30 =	sadd.s32 $0xFFFFDE00, s14  }
0x14b: {  	[tilespmem:s30], [sflag:$0x1] =	stream.linear.gather [hbm4b:s29+s2], $0x80, $0x38;
	[tilespmem:$0x10000] =	vst v63  }
0x14c: {  	s31 =	rddreg [dreg:$0x4];
	s20 =	sadd.s32 $0x7040, s17;
	s21 =	sadd.s32 $0xFFFFFE00, s14  }
0x14d: {  	[tilespmem:s21], [sflag:$0x1] =	stream.linear.gather [hbm4b:s20+s2], $0x80, $0x38;
	[tilespmem:$0x10000] =	vst v63  }
0x14e: {  	s17 =	sadd.s32 s15, s31;
	s22 =	sadd.s32 $0xFFFF1E80, s14  }
0x14f: {  	[tilespmem:s22], [sflag:$0x1] =	stream.linear.gather [hbm4b:s17+s2], $0x80, $0x38;
	[tilespmem:$0x10000] =	vst v63  }
0x150: {  	s23 =	sadd.s32 $0x1000, s17;
	s24 =	sadd.s32 $0xFFFF3E80, s14  }
0x151: {  	[tilespmem:s24], [sflag:$0x1] =	stream.linear.gather [hbm4b:s23+s2], $0x80, $0x38;
	[tilespmem:$0x10000] =	vst v63  }
0x152: {  	s25 =	sadd.s32 $0x2000, s17;
	s26 =	sadd.s32 $0xFFFF5E80, s14  }
0x153: {  	[tilespmem:s26], [sflag:$0x1] =	stream.linear.gather [hbm4b:s25+s2], $0x80, $0x38;
	[tilespmem:$0x10000] =	vst v63  }
0x154: {  	s28 =	sadd.s32 $0x3000, s17;
	s29 =	sadd.s32 $0xFFFF7E80, s14  }
0x155: {  	[tilespmem:s29], [sflag:$0x1] =	stream.linear.gather [hbm4b:s28+s2], $0x80, $0x38;
	[tilespmem:$0x10000] =	vst v63  }
0x156: {  	s31 =	sadd.s32 $0xFFFF9E80, s14;
	s30 =	sadd.s32 $0x4000, s17  }
0x157: {  	[tilespmem:s31], [sflag:$0x1] =	stream.linear.gather [hbm4b:s30+s2], $0x80, $0x38;
	[tilespmem:$0x10000] =	vst v63  }
0x158: {  	s19 =	sadd.s32 $0x5000, s17;
	s20 =	sadd.s32 $0xFFFFBE80, s14  }
0x159: {  	[tilespmem:s20], [sflag:$0x1] =	stream.linear.gather [hbm4b:s19+s2], $0x80, $0x38;
	[tilespmem:$0x10000] =	vst v63  }
0x15a: {  	s21 =	sadd.s32 $0x6000, s17;
	s22 =	sadd.s32 $0xFFFFDE80, s14  }
0x15b: {  	[tilespmem:s22], [sflag:$0x1] =	stream.linear.gather [hbm4b:s21+s2], $0x80, $0x38;
	[tilespmem:$0x10000] =	vst v63  }
0x15c: {  	s23 =	sadd.s32 $0x7000, s17;
	s24 =	sadd.s32 $0xFFFFFE80, s14  }
0x15d: {  	[tilespmem:s24], [sflag:$0x1] =	stream.linear.gather [hbm4b:s23+s2], $0x80, $0x38;
	[tilespmem:$0x10000] =	vst v63  }
0x15e: {  	s25 =	sadd.s32 $0xFFFF1F00, s14;
	s26 =	sadd.s32 $0x40, s17  }
0x15f: {  	[tilespmem:s25], [sflag:$0x1] =	stream.linear.gather [hbm4b:s26+s2], $0x80, $0x38;
	[tilespmem:$0x10000] =	vst v63  }
0x160: {  	s28 =	sadd.s32 $0x1040, s17;
	s29 =	sadd.s32 $0xFFFF3F00, s14  }
0x161: {  	[tilespmem:s29], [sflag:$0x1] =	stream.linear.gather [hbm4b:s28+s2], $0x80, $0x38;
	[tilespmem:$0x10000] =	vst v63  }
0x162: {  	s30 =	sadd.s32 $0x2040, s17;
	s31 =	sadd.s32 $0xFFFF5F00, s14  }
0x163: {  	[tilespmem:s31], [sflag:$0x1] =	stream.linear.gather [hbm4b:s30+s2], $0x80, $0x38;
	[tilespmem:$0x10000] =	vst v63  }
0x164: {  	s19 =	sadd.s32 $0x3040, s17;
	s20 =	sadd.s32 $0xFFFF7F00, s14  }
0x165: {  	[tilespmem:s20], [sflag:$0x1] =	stream.linear.gather [hbm4b:s19+s2], $0x80, $0x38;
	[tilespmem:$0x10000] =	vst v63  }
0x166: {  	s21 =	sadd.s32 $0x4040, s17;
	s22 =	sadd.s32 $0xFFFF9F00, s14  }
0x167: {  	[tilespmem:s22], [sflag:$0x1] =	stream.linear.gather [hbm4b:s21+s2], $0x80, $0x38;
	[tilespmem:$0x10000] =	vst v63  }
0x168: {  	s23 =	sadd.s32 $0x5040, s17;
	s24 =	sadd.s32 $0xFFFFBF00, s14  }
0x169: {  	[tilespmem:s24], [sflag:$0x1] =	stream.linear.gather [hbm4b:s23+s2], $0x80, $0x38;
	[tilespmem:$0x10000] =	vst v63  }
0x16a: {  	s25 =	sadd.s32 $0x6040, s17;
	s26 =	sadd.s32 $0xFFFFDF00, s14  }
0x16b: {  	[tilespmem:s26], [sflag:$0x1] =	stream.linear.gather [hbm4b:s25+s2], $0x80, $0x38;
	[tilespmem:$0x10000] =	vst v63  }
0x16c: {  	s28 =	rddreg [dreg:$0x5];
	s29 =	sadd.s32 $0x7040, s17;
	s30 =	sadd.s32 $0xFFFFFF00, s14  }
0x16d: {  	[tilespmem:s30], [sflag:$0x1] =	stream.linear.gather [hbm4b:s29+s2], $0x80, $0x38;
	[tilespmem:$0x10000] =	vst v63  }
0x16e: {  	s15 =	sadd.s32 s15, s28;
	s31 =	sadd.s32 $0xFFFF1F80, s14  }
0x16f: {  	[tilespmem:s31], [sflag:$0x1] =	stream.linear.gather [hbm4b:s15+s2], $0x80, $0x38;
	[tilespmem:$0x10000] =	vst v63  }
0x170: {  	s18 =	sadd.s32 $0xFFFF3F80, s14;
	s17 =	sadd.s32 $0x1000, s15  }
0x171: {  	[tilespmem:s18], [sflag:$0x1] =	stream.linear.gather [hbm4b:s17+s2], $0x80, $0x38;
	[tilespmem:$0x10000] =	vst v63  }
0x172: {  	s19 =	sadd.s32 $0x2000, s15;
	s20 =	sadd.s32 $0xFFFF5F80, s14  }
0x173: {  	[tilespmem:s20], [sflag:$0x1] =	stream.linear.gather [hbm4b:s19+s2], $0x80, $0x38;
	[tilespmem:$0x10000] =	vst v63  }
0x174: {  	s21 =	sadd.s32 $0x3000, s15;
	s22 =	sadd.s32 $0xFFFF7F80, s14  }
0x175: {  	[tilespmem:s22], [sflag:$0x1] =	stream.linear.gather [hbm4b:s21+s2], $0x80, $0x38;
	[tilespmem:$0x10000] =	vst v63  }
0x176: {  	s23 =	sadd.s32 $0x4000, s15;
	s24 =	sadd.s32 $0xFFFF9F80, s14  }
0x177: {  	[tilespmem:s24], [sflag:$0x1] =	stream.linear.gather [hbm4b:s23+s2], $0x80, $0x38;
	[tilespmem:$0x10000] =	vst v63  }
0x178: {  	s25 =	sadd.s32 $0x5000, s15;
	s26 =	sadd.s32 $0xFFFFBF80, s14  }
0x179: {  	[tilespmem:s26], [sflag:$0x1] =	stream.linear.gather [hbm4b:s25+s2], $0x80, $0x38;
	[tilespmem:$0x10000] =	vst v63  }
0x17a: {  	s28 =	sadd.s32 $0x6000, s15;
	s29 =	sadd.s32 $0xFFFFDF80, s14  }
0x17b: {  	[tilespmem:s29], [sflag:$0x1] =	stream.linear.gather [hbm4b:s28+s2], $0x80, $0x38;
	[tilespmem:$0x10000] =	vst v63  }
0x17c: {  	s30 =	sadd.s32 $0x7000, s15;
	s31 =	sadd.s32 $0xFFFFFF80, s14  }
0x17d: {  	[tilespmem:s31], [sflag:$0x1] =	stream.linear.gather [hbm4b:s30+s2], $0x80, $0x38;
	[tilespmem:$0x10000] =	vst v63  }
0x17e: {  	s17 =	sadd.s32 $0xFFFF2000, s14;
	s18 =	sadd.s32 $0x40, s15  }
0x17f: {  	[tilespmem:s17], [sflag:$0x1] =	stream.linear.gather [hbm4b:s18+s2], $0x80, $0x38;
	[tilespmem:$0x10000] =	vst v63  }
0x180: {  	s19 =	sadd.s32 $0x1040, s15;
	s20 =	sadd.s32 $0xFFFF4000, s14  }
0x181: {  	[tilespmem:s20], [sflag:$0x1] =	stream.linear.gather [hbm4b:s19+s2], $0x80, $0x38;
	[tilespmem:$0x10000] =	vst v63  }
0x182: {  	s21 =	sadd.s32 $0x2040, s15;
	s22 =	sadd.s32 $0xFFFF6000, s14  }
0x183: {  	[tilespmem:s22], [sflag:$0x1] =	stream.linear.gather [hbm4b:s21+s2], $0x80, $0x38;
	[tilespmem:$0x10000] =	vst v63  }
0x184: {  	s23 =	sadd.s32 $0x3040, s15;
	s24 =	sadd.s32 $0xFFFF8000, s14  }
0x185: {  	[tilespmem:s24], [sflag:$0x1] =	stream.linear.gather [hbm4b:s23+s2], $0x80, $0x38;
	[tilespmem:$0x10000] =	vst v63  }
0x186: {  	s25 =	sadd.s32 $0x4040, s15;
	s26 =	sadd.s32 $0xFFFFA000, s14  }
0x187: {  	[tilespmem:s26], [sflag:$0x1] =	stream.linear.gather [hbm4b:s25+s2], $0x80, $0x38;
	[tilespmem:$0x10000] =	vst v63  }
0x188: {  	s28 =	sadd.s32 $0x5040, s15;
	s29 =	sadd.s32 $0xFFFFC000, s14  }
0x189: {  	[tilespmem:s29], [sflag:$0x1] =	stream.linear.gather [hbm4b:s28+s2], $0x80, $0x38;
	[tilespmem:$0x10000] =	vst v63  }
0x18a: {  	s30 =	sadd.s32 $0x6040, s15;
	s31 =	sadd.s32 $0xFFFFE000, s14  }
0x18b: {  	[tilespmem:s31], [sflag:$0x1] =	stream.linear.gather [hbm4b:s30+s2], $0x80, $0x38;
	[tilespmem:$0x10000] =	vst v63  }
0x18c: {  	s15 =	sadd.s32 $0x7040, s15  }
0x18d: {  	[tilespmem:s14], [sflag:$0x1] =	stream.linear.gather [hbm4b:s15+s2], $0x80, $0x38;
	[tilespmem:$0x10000] =	vst v63  }
0x18e: {  	_ =	swait.ge [sflag:s7], $0x400  }
0x18f: {  	[sflag:s7] =	ssyncset.done $0x0  }
0x190: {  	[sflag:s7] =	ssyncadd.s32 $0xFFFFFC00  }
0x191: {  	_ =	swait.ge [sflag:s7], $0x400  }
0x192: {  	[sflag:s7] =	ssyncset.done $0x0  }
0x193: {  	[sflag:s7] =	ssyncadd.s32 $0xFFFFFC00  }
0x194: {  	_ =	swait.ge [sflag:s7], $0x400  }
0x195: {  	[sflag:s7] =	ssyncset.done $0x0  }
0x196: {  	[sflag:s7] =	ssyncadd.s32 $0xFFFFFC00  }
0x197: {  	_ =	swait.ge [sflag:s7], $0x400  }
0x198: {  	[sflag:s7] =	ssyncset.done $0x0  }
0x199: {  	[sflag:s7] =	ssyncadd.s32 $0xFFFFFC00  }
0x19a: {  	_ =	swait.ge [sflag:s7], $0x400  }
0x19b: {  	[sflag:s7] =	ssyncset.done $0x0  }
0x19c: {  	[sflag:s7] =	ssyncadd.s32 $0xFFFFFC00  }
0x19d: {  	_ =	swait.ge [sflag:s7], $0x400  }
0x19e: {  	[sflag:s7] =	ssyncset.done $0x0  }
0x19f: {  	[sflag:s7] =	ssyncadd.s32 $0xFFFFFC00  }
0x1a0: {  	_ =	swait.ge [sflag:s7], $0x400  }
0x1a1: {  	[sflag:s7] =	ssyncset.done $0x0  }
0x1a2: {  	[sflag:s7] =	ssyncadd.s32 $0xFFFFFC00  }
0x1a3: {  	_ =	swait.ge [sflag:s7], $0x400  }
0x1a4: {  	[sflag:s7] =	ssyncset.done $0x0  }
.LBB2_5:
0x1a5: {  	s13 =	sadd.s32 $0x8, s13;
	[sflag:s7] =	ssyncadd.s32 $0xFFFFFC00  }
0x1a6: {  	_ =	swait.ge [sflag:s7], $0x400;
	p0 =	slt.u32 s13, $0x38  }
0x1a7: {  	[sflag:s7] =	ssyncset.done $0x0  }
0x1a8: {  	[sflag:s7] =	ssyncadd.s32 $0xFFFFFC00  }
0x1a9: {  	_ =	swait.ge [sflag:s7], $0x400  }
0x1aa: {  	[sflag:s7] =	ssyncset.done $0x0  }
0x1ab: {  	[sflag:s7] =	ssyncadd.s32 $0xFFFFFC00  }
0x1ac: {  	_ =	swait.ge [sflag:s7], $0x400  }
0x1ad: {  	[sflag:s7] =	ssyncset.done $0x0  }
0x1ae: {  	[sflag:s7] =	ssyncadd.s32 $0xFFFFFC00  }
0x1af: {  	_ =	swait.ge [sflag:s7], $0x400  }
0x1b0: {  	[sflag:s7] =	ssyncset.done $0x0  }
0x1b1: {  	[sflag:s7] =	ssyncadd.s32 $0xFFFFFC00  }
0x1b2: {  	_ =	swait.ge [sflag:s7], $0x400  }
0x1b3: {  	[sflag:s7] =	ssyncset.done $0x0  }
0x1b4: {  	[sflag:s7] =	ssyncadd.s32 $0xFFFFFC00  }
0x1b5: {  	_ =	swait.ge [sflag:s7], $0x400  }
0x1b6: {  	[sflag:s7] =	ssyncset.done $0x0  }
0x1b7: {  	[sflag:s7] =	ssyncadd.s32 $0xFFFFFC00  }
.Ltmp1:
0x1b8: {  	_ =	swait.ge [sflag:s7], $0x400;
	(pc) =	sbr.rel @p0 .LBB2_5-.Ltmp1, $4  }
0x1b9: {  	[sflag:s7] =	ssyncset.done $0x0  }
0x1ba: {  	[sflag:s7] =	ssyncadd.s32 $0xFFFFFC00  }
0x1bb: {  	_ =	swait.ge [sflag:s7], $0x400  }
0x1bc: {  	[sflag:s7] =	ssyncset.done $0x0  }
0x1bd: {  	s11 =	sadd.s32 $0x1, s11  }
0x1be: {  	s12 =	sshll.u32 s12, $0xA;
	p0 =	sne.s32 s11, $0x10  }
.Ltmp2:
0x1bf: {  	[sflag:s7] =	ssyncadd.s32 $0xFFFFFC00;
	s12 =	sadd.s32 s4, s12;
	(pc) =	sbr.rel @p0 .LBB2_2-.Ltmp2, $4  }
0x1c0: {  	[hbm4b:s12+s2] =	stream.linear.scatter [tilespmem:s2], [sflag:$0x2], $0x10000, $0x38;
	[tilespmem:$0x10000] =	vst v63  }
0x1c1: {  	_ =	swait.ge [sflag:s8], $0x10000  }
0x1c2: {  	[sflag:s8] =	ssyncset.done $0x0  }
0x1c3: {  	s10 =	sadd.s32 $0x8000, s10;
	[sflag:s8] =	ssyncadd.s32 $0xFFFF0000  }
0x1c4: {  	s9 =	sadd.s32 $0x1, s9  }
0x1c5: {  	p0 =	sne.s32 s9, s6  }
.Ltmp3:
0x1c6: {  	_ = 	snop;
	(pc) =	sbr.rel @p0 .LBB2_1-.Ltmp3, $1  }
0x1c7: {  	_ =	sdelay $0x3  }
0x1c8: {  	_ =	sfence.sel $0x180000  }
0x1c9: {  	[bflag:$0x0] =	sbarrier.arrive $0xFFFF  }
0x1ca: {  	p0 =	sne.s32 s1, $0x0;
	_ =	strace $0x90000047  }
0x1cb: {  	s0 =	sadd.s32 @!p0 $0x100000, s0;
	[bflag:$0x2] =	sbarrier.arrive $0xFFFF  }
0x1cc: {  	[sflag:s0] =	ssyncadd.tile.s32 @!p0 $0x1;
	_ =	shalt  }
.Lfunc_end2:
_tile_overlayer_lowered:
.L_overlay_start_2:
0x1cd: {  	(tag) =	ssettag $0x2  }
0x1ce: {  	s0 =	rddreg [dreg:$0x0];
	s2 =	stileid.u32  }
0x1cf: {  	s1 =	rddreg [dreg:$0x1];
	p0 =	sne.s32 s2, $0x0  }
0x1d0: {  	s3 =	rddreg [dreg:$0x2];
	[bflag:$0x3] =	sbarrier.arrive $0xFFFF;
	s2 =	simm.s32 @!p0 $0x1C02  }
0x1d1: {  	[timem:s3], [sflag:s2] =	dma.local @!p0 [hbm:s0], s1  }
0x1d2: {  	s0 =	simm.s32 @!p0 $0x2  }
0x1d3: {  	_ =	swait.ge @!p0 [sflag:s0], s1  }
0x1d4: {  	s1 =	ssub.s32 @!p0 $0x0, s1;
	[sflag:s0] =	ssyncset.done @!p0 $0x0  }
0x1d5: {  	[sflag:s0] =	ssyncadd.s32 @!p0 s1  }
0x1d6: {  	[bflag:$0x3] =	sbarrier.arrive $0xFFFF  }
0x1d7: {  	_ =	shalt  }

</sc_bundles>
